<compile_context>
chip_gen: v7x
topology: tpu7x:2x2x1
jax: 0.10.2.dev20260603
libtpu: 0.0.44.dev20260713+nightly
codegen_flags: <defaults>
</compile_context>

<pallas_src>
import jax
import jax.numpy as jnp
from jax import lax
from jax.experimental import pallas as pl
from jax.experimental.pallas import tpu as pltpu
from jax.experimental.pallas import tpu_sc as plsc

MAX_LEN = 200
EMB_DIM = 32
BATCH = 4096
N_IDX = BATCH * MAX_LEN
N_GRP = MAX_LEN // 4
N_ROWS = N_IDX // 4
VOCAB = 1000000
TROWS = VOCAB // 4

_info = plsc.get_sparse_core_info()
NC, NS = _info.num_cores, _info.num_subcores
NW = NC * NS

TCHUNK = 768
N_TCHUNKS = 999936 // TCHUNK
REM = VOCAB - N_TCHUNKS * TCHUNK
TPAIRS = (N_TCHUNKS // NW + 2) // 2


def _transpose_compute(in_b, out_v, b):
    lane = lax.iota(jnp.int32, 16)

    @plsc.parallel_loop(0, TCHUNK // 4, unroll=4)
    def _(r):
        for q in range(4):
            j = 4 * r + q
            for h in range(2):
                v = plsc.load_gather(in_b, [16 * h + lane, lane * 0 + j])
                out_v[b, r, pl.ds(q * EMB_DIM + 16 * h, 16)] = v


def _transpose_body(tt_hbm, tail_hbm, out_hbm, in_v0, in_v1, out_v, sin, sout):
    wid = lax.axis_index("s") * NC + lax.axis_index("c")
    myn = (N_TCHUNKS - 1 - wid) // NW + 1
    in_bufs = (in_v0, in_v1)

    def in_desc(j, b):
        c = j * NW + wid
        return pltpu.make_async_copy(
            tt_hbm.at[:, pl.ds(c * TCHUNK, TCHUNK)],
            in_bufs[b].at[:, pl.ds(0, TCHUNK)],
            sin,
        )

    def out_desc(j, b):
        c = j * NW + wid
        return pltpu.make_async_copy(
            out_v.at[b],
            out_hbm.at[pl.ds(c * (TCHUNK // 4), TCHUNK // 4)],
            sout,
        )

    in_desc(0, 0).start()

    def pair_body(j2, carry):
        for b in (0, 1):
            j = j2 * 2 + b

            @pl.when(j < myn)
            def _():
                in_desc(j, b).wait()

                @pl.when(j + 1 < myn)
                def _():
                    in_desc(j + 1, 1 - b).start()

                @pl.when(j >= 2)
                def _():
                    out_desc(j - 2, b).wait()

                _transpose_compute(in_bufs[b], out_v, b)
                out_desc(j, b).start()

        return carry

    lax.fori_loop(0, TPAIRS, pair_body, 0)
    out_desc(0, 0).wait()
    out_desc(0, 1).wait()

    @pl.when(wid == 17)
    def _():
        pltpu.sync_copy(tail_hbm, out_v.at[0, pl.ds(0, REM // 4)])
        pltpu.sync_copy(
            out_v.at[0, pl.ds(0, REM // 4)],
            out_hbm.at[pl.ds((VOCAB - REM) // 4, REM // 4)],
        )


def _sc_transpose(tableT, tail128):
    mesh = plsc.VectorSubcoreMesh(core_axis_name="c", subcore_axis_name="s")
    kern = pl.kernel(
        _transpose_body,
        mesh=mesh,
        out_type=jax.ShapeDtypeStruct((TROWS, 128), jnp.float32),
        scratch_types=[
            pltpu.VMEM((EMB_DIM, TCHUNK + 1), jnp.float32),
            pltpu.VMEM((EMB_DIM, TCHUNK + 1), jnp.float32),
            pltpu.VMEM((2, TCHUNK // 4, 128), jnp.float32),
            pltpu.SemaphoreType.DMA,
            pltpu.SemaphoreType.DMA,
        ],
        compiler_params=pltpu.CompilerParams(
            use_tc_tiling_on_sc=True, needs_layout_passes=False
        ),
    )
    return kern(tableT, tail128)


BPW = BATCH // NW
TPC = 8
GITER = MAX_LEN // TPC
GN = TPC * BPW


def _gather_body(x_hbm, table_hbm, out_hbm, idx2_v, idxi_v, rows_v, sem):
    wid = lax.axis_index("s") * NC + lax.axis_index("c")
    lane = lax.iota(jnp.int32, 16)
    b0 = wid * BPW

    def chunk_body(i, carry):
        pltpu.sync_copy(
            x_hbm.at[pl.ds(i * TPC, TPC), pl.ds(b0, BPW)],
            idx2_v.at[:, pl.ds(0, BPW)],
        )

        @plsc.parallel_loop(0, GN // 16, unroll=2)
        def _(g2):
            n0 = g2 * 16
            kh = n0 >> 9
            rvec = kh * 4 + (lane & 3)
            cvec = ((n0 & 511) >> 2) + (lane >> 2)
            idxi_v[pl.ds(n0, 16)] = plsc.load_gather(idx2_v, [rvec, cvec])

        pltpu.async_copy(table_hbm.at[idxi_v], rows_v, sem).wait()
        for kh in range(2):
            k = 2 * i + kh
            pltpu.sync_copy(
                rows_v.at[pl.ds(kh * 512, 512)],
                out_hbm.at[pl.ds(k * (4 * BATCH) + 4 * b0, 512)],
            )
        return carry

    lax.fori_loop(0, GITER, chunk_body, 0)


def _sc_gather(x2d, table_lin):
    mesh = plsc.VectorSubcoreMesh(core_axis_name="c", subcore_axis_name="s")
    kern = pl.kernel(
        _gather_body,
        mesh=mesh,
        out_type=jax.ShapeDtypeStruct((N_IDX, EMB_DIM), jnp.float32),
        scratch_types=[
            pltpu.VMEM((TPC, BPW + 4), jnp.int32),
            pltpu.VMEM((GN,), jnp.int32),
            pltpu.VMEM((GN, EMB_DIM), jnp.float32),
            pltpu.SemaphoreType.DMA,
        ],
        compiler_params=pltpu.CompilerParams(
            use_tc_tiling_on_sc=False, needs_layout_passes=False
        ),
    )
    return kern(x2d, table_lin)


KPER = 5
NSTEP = N_GRP // KPER


def _mlp_body(emb_ref, w1_ref, b1_ref, w2_ref, b2_ref, out_ref, acc_ref):
    k0 = pl.program_id(0)

    @pl.when(k0 == 0)
    def _():
        acc_ref[...] = jnp.zeros_like(acc_ref)

    acc = acc_ref[...]
    for s in range(KPER):
        acc += jnp.dot(
            emb_ref[pl.ds(s * BATCH, BATCH), :],
            w1_ref[pl.ds(s * 128, 128), :],
            preferred_element_type=jnp.float32,
        )
    acc_ref[...] = acc

    @pl.when(k0 == NSTEP - 1)
    def _():
        h = jnp.maximum(acc + b1_ref[...], 0.0)
        o = jnp.dot(h, w2_ref[...], preferred_element_type=jnp.float32)
        out_ref[...] = jax.nn.sigmoid(o + b2_ref[...])


def _tc_mlp(emb128, w1t, b1, w2t, b2):
    f = pl.pallas_call(
        _mlp_body,
        grid=(NSTEP,),
        in_specs=[
            pl.BlockSpec((KPER * BATCH, 128), lambda k0: (k0, 0)),
            pl.BlockSpec((KPER * 128, 32), lambda k0: (k0, 0)),
            pl.BlockSpec((1, 32), lambda k0: (0, 0)),
            pl.BlockSpec((32, 1), lambda k0: (0, 0)),
            pl.BlockSpec((1, 1), lambda k0: (0, 0)),
        ],
        out_specs=pl.BlockSpec((BATCH, 1), lambda k0: (0, 0)),
        out_shape=jax.ShapeDtypeStruct((BATCH, 1), jnp.float32),
        scratch_shapes=[pltpu.VMEM((BATCH, 32), jnp.float32)],
    )
    return f(emb128, w1t, b1, w2t, b2)


@jax.jit
def kernel(x, table, W1, b1, W2, b2):
    tail128 = table[VOCAB - REM :].reshape(REM // 4, 128)
    tbl128 = _sc_transpose(table.T, tail128)
    table_lin = tbl128.reshape(VOCAB, EMB_DIM)
    emb128 = _sc_gather(x.T, table_lin).reshape(N_ROWS, 128)
    return _tc_mlp(emb128, W1.T, b1.reshape(1, 32), W2.T, b2.reshape(1, 1))

# --- scband reference (transcript-rebuilt; emitter-appended) ---
"""Pipeline reference for scband-binary-classifier-18966575579726 (READ-ONLY COPY).

The authoritative reference and input builder live on the scoring server;
editing this copy changes nothing except your own understanding.
"""

import jax, jax.numpy as jnp
import numpy as np

MAX_TOKENS = 1000000
MAX_LEN = 200
EMB_DIM = 32
BATCH = 4096


def setup_inputs(seed: int = 0) -> dict:
    key = jax.random.key(seed)
    k1, k2, k3, k4, k5, k6 = jax.random.split(key, 6)
    x = jax.random.randint(k1, (BATCH, MAX_LEN), 0, MAX_TOKENS, dtype=jnp.int64 if jax.config.jax_enable_x64 else jnp.int32).astype(jnp.int32)
    table = jax.random.normal(k2, (MAX_TOKENS, EMB_DIM), dtype=jnp.float32)
    # fcl1: Linear(in=max_len*emb_dim, out=32)
    fan_in1 = MAX_LEN * EMB_DIM
    W1 = jax.random.uniform(k3, (32, fan_in1), dtype=jnp.float32, minval=-1.0, maxval=1.0) / np.sqrt(fan_in1)
    b1 = jax.random.uniform(k4, (32,), dtype=jnp.float32, minval=-1.0, maxval=1.0) / np.sqrt(fan_in1)
    # fcl2: Linear(in=32, out=1)
    W2 = jax.random.uniform(k5, (1, 32), dtype=jnp.float32, minval=-1.0, maxval=1.0) / np.sqrt(32)
    b2 = jax.random.uniform(k6, (1,), dtype=jnp.float32, minval=-1.0, maxval=1.0) / np.sqrt(32)
    return {"x": x, "table": table, "W1": W1, "b1": b1, "W2": W2, "b2": b2}


def reference(x, table, W1, b1, W2, b2):
    x = x.reshape(-1, MAX_LEN)
    emb = jnp.take(table, x, axis=0)                      # [B, max_len, emb_dim]
    flat = emb.reshape(emb.shape[0], -1)                   # [B, max_len*emb_dim]
    h = jax.nn.relu(flat @ W1.T + b1)                      # [B, 32]
    out = jax.nn.sigmoid(h @ W2.T + b2)                    # [B, 1]
    return out

if __name__ == "__main__":
    import jax
    _d = setup_inputs()
    print(jax.jit(kernel)(*tuple(_d.values())))

</pallas_src>

<mosaic_0001>
#map = affine_map<(d0, d1) -> (0, 0)>
module attributes {stable_mosaic.version = 14 : i64} {
  func.func @_gather_body(%arg0: i32, %arg1: i32, %arg2: memref<200x4096xi32, #tpu.memory_space<hbm>>, %arg3: memref<1000000x32xf32, #tpu.memory_space<hbm>>, %arg4: memref<819200x32xf32, #tpu.memory_space<hbm>>, %arg5: memref<8x132xi32, #tpu.memory_space<vmem>>, %arg6: memref<1024xi32, #tpu.memory_space<vmem>>, %arg7: memref<1024x32xf32, #tpu.memory_space<vmem>>, %arg8: memref<!tpu.dma_semaphore, #tpu.memory_space<semaphore_mem>>) attributes {dimension_semantics = [#tpu.dimension_semantics<core_parallel>, #tpu.dimension_semantics<subcore_parallel>], iteration_bounds = array<i64: 2, 16>, scalar_prefetch = 0 : i64, scratch_operands = 4 : i64, tpu.core_type = #tpu.core_type<sc_vector_subcore>, window_params = [{transform_indices = #map}, {transform_indices = #map}, {transform_indices = #map}]} {
    %mul3A = arith.constant 2 : i32
    %mul3A_0 = arith.muli %arg1, %mul3A : i32
    %add3A = arith.addi %mul3A_0, %arg0 : i32
    %iota3A = tpu.iota {dimensions = array<i32: 0>} : vector<16xi32>
    %mul3A_1 = arith.constant 128 : i32
    %mul3A_2 = arith.muli %add3A, %mul3A_1 : i32
    %scan3A = arith.constant 0 : i32
    %scan3A_3 = arith.constant 0 : i32
    %scan3A_4 = arith.constant 25 : i32
    %scan3A_5 = arith.addi %scan3A_3, %scan3A_4 : i32
    %scan3A_6 = arith.constant 1 : i32
    scf.for %scan3A_8 = %scan3A_3 to %scan3A_5 step %scan3A_6  : i32 {
      %mul3A_9 = arith.constant 8 : i32
      %mul3A_10 = arith.muli %scan3A_8, %mul3A_9 : i32
      "tpu.region"() ({
        %run_scoped3A = tpu.sem_alloc : memref<!tpu.dma_semaphore, #tpu.memory_space<semaphore_mem>>
        %dma_start3A_35 = arith.constant 0 : i32
        %dma_start3A_36 = arith.constant 0 : i32
        %dma_start3A_37 = tpu.memref_slice %arg5[%dma_start3A_35, %dma_start3A_36] : memref<8x132xi32, #tpu.memory_space<vmem>> -> memref<8x128xi32, #tpu.memory_space<vmem>>
        %dma_start3A_38 = tpu.memref_slice %arg2[%mul3A_10, %mul3A_2] : memref<200x4096xi32, #tpu.memory_space<hbm>> -> memref<8x128xi32, #tpu.memory_space<hbm>>
        %dma_start3A_39 = arith.constant 0 : i32
        %dma_start3A_40 = arith.constant 0 : i32
        %dma_start3A_41 = tpu.memref_slice %arg5[%dma_start3A_39, %dma_start3A_40] : memref<8x132xi32, #tpu.memory_space<vmem>> -> memref<8x128xi32, #tpu.memory_space<vmem>>
        %dma_start3A_42 = tpu.memref_slice %arg2[%mul3A_10, %mul3A_2] : memref<200x4096xi32, #tpu.memory_space<hbm>> -> memref<8x128xi32, #tpu.memory_space<hbm>>
        tpu.enqueue_dma source(%dma_start3A_42 : memref<8x128xi32, #tpu.memory_space<hbm>>) target(%dma_start3A_41 : memref<8x128xi32, #tpu.memory_space<vmem>>) target_semaphore(%run_scoped3A : memref<!tpu.dma_semaphore, #tpu.memory_space<semaphore_mem>>)
        %dma_wait3A_43 = arith.constant 0 : i32
        %dma_wait3A_44 = arith.constant 0 : i32
        %dma_wait3A_45 = tpu.memref_slice %arg5[%dma_wait3A_43, %dma_wait3A_44] : memref<8x132xi32, #tpu.memory_space<vmem>> -> memref<8x128xi32, #tpu.memory_space<vmem>>
        %dma_wait3A_46 = tpu.memref_slice %arg2[%mul3A_10, %mul3A_2] : memref<200x4096xi32, #tpu.memory_space<hbm>> -> memref<8x128xi32, #tpu.memory_space<hbm>>
        %dma_wait3A_47 = arith.constant 0 : i32
        %dma_wait3A_48 = arith.constant 0 : i32
        %dma_wait3A_49 = tpu.memref_slice %arg5[%dma_wait3A_47, %dma_wait3A_48] : memref<8x132xi32, #tpu.memory_space<vmem>> -> memref<8x128xi32, #tpu.memory_space<vmem>>
        %dma_wait3A_50 = tpu.memref_slice %arg2[%mul3A_10, %mul3A_2] : memref<200x4096xi32, #tpu.memory_space<hbm>> -> memref<8x128xi32, #tpu.memory_space<hbm>>
        tpu.wait_dma2 semaphore(%run_scoped3A : memref<!tpu.dma_semaphore, #tpu.memory_space<semaphore_mem>>) src(%dma_wait3A_50 : memref<8x128xi32, #tpu.memory_space<hbm>>) dst(%dma_wait3A_49 : memref<8x128xi32, #tpu.memory_space<vmem>>)
        tpu.yield
      }) : () -> ()
      %parallel_loop3A = arith.constant 0 : i32
      %parallel_loop3A_11 = arith.constant 64 : i32
      %parallel_loop3A_12 = arith.constant 1 : i32
      scf.for %parallel_loop3A_35 = %parallel_loop3A to %parallel_loop3A_11 step %parallel_loop3A_12  : i32 {
        %parallel_loop3A_36 = arith.constant 16 : i32
        %parallel_loop3A_37 = arith.muli %parallel_loop3A_35, %parallel_loop3A_36 : i32
        %parallel_loop3A_38 = arith.constant 9 : i32
        %parallel_loop3A_39 = arith.shrsi %parallel_loop3A_37, %parallel_loop3A_38 : i32
        %parallel_loop3A_40 = arith.constant 4 : i32
        %parallel_loop3A_41 = arith.muli %parallel_loop3A_39, %parallel_loop3A_40 : i32
        %parallel_loop3A_42 = arith.constant 3 : i32
        %parallel_loop3A_43 = vector.broadcast %parallel_loop3A_42 : i32 to vector<16xi32>
        %parallel_loop3A_44 = arith.andi %iota3A, %parallel_loop3A_43 : vector<16xi32>
        %parallel_loop3A_45 = vector.broadcast %parallel_loop3A_41 : i32 to vector<16xi32>
        %parallel_loop3A_46 = arith.addi %parallel_loop3A_45, %parallel_loop3A_44 : vector<16xi32>
        %parallel_loop3A_47 = arith.constant 511 : i32
        %parallel_loop3A_48 = arith.andi %parallel_loop3A_37, %parallel_loop3A_47 : i32
        %parallel_loop3A_49 = arith.constant 2 : i32
        %parallel_loop3A_50 = arith.shrsi %parallel_loop3A_48, %parallel_loop3A_49 : i32
        %parallel_loop3A_51 = arith.constant 2 : i32
        %parallel_loop3A_52 = vector.broadcast %parallel_loop3A_51 : i32 to vector<16xi32>
        %parallel_loop3A_53 = arith.shrsi %iota3A, %parallel_loop3A_52 : vector<16xi32>
        %parallel_loop3A_54 = vector.broadcast %parallel_loop3A_50 : i32 to vector<16xi32>
        %parallel_loop3A_55 = arith.addi %parallel_loop3A_54, %parallel_loop3A_53 : vector<16xi32>
        %parallel_loop3A_56 = tpu.vector_load_idx %arg5[%parallel_loop3A_46, %parallel_loop3A_55] : memref<8x132xi32, #tpu.memory_space<vmem>>[vector<16xi32>, vector<16xi32>], vector<16xi32>,
        %parallel_loop3A_57 = arith.index_cast %parallel_loop3A_37 : i32 to index
        %parallel_loop3A_58 = tpu.vector_load %arg6[%parallel_loop3A_57] {strides = array<i32>} : memref<1024xi32, #tpu.memory_space<vmem>>, vector<16xi32>,
        tpu.vector_store %arg6[%parallel_loop3A_57], %parallel_loop3A_56 {strides = array<i32>} : memref<1024xi32, #tpu.memory_space<vmem>>, vector<16xi32>,
      } {sc.loop_unroll_factor = 2 : i64, sc.parallel_access}
      %dma_start3A = arith.constant 0 : i32
      %dma_start3A_13 = arith.constant 0 : i32
      %dma_start3A_14 = tpu.memref_slice %arg3[%dma_start3A, %dma_start3A_13] : memref<1000000x32xf32, #tpu.memory_space<hbm>> -> memref<1000000x32xf32, #tpu.memory_space<hbm>>
      tpu.enqueue_indirect_dma source(%dma_start3A_14 : memref<1000000x32xf32, #tpu.memory_space<hbm>>) target(%arg7 : memref<1024x32xf32, #tpu.memory_space<vmem>>) offsets(%arg6 : memref<1024xi32, #tpu.memory_space<vmem>>) semaphore(%arg8 : memref<!tpu.dma_semaphore, #tpu.memory_space<semaphore_mem>>)
      %dma_wait3A = arith.constant 0 : i32
      %dma_wait3A_15 = arith.constant 0 : i32
      %dma_wait3A_16 = tpu.memref_slice %arg3[%dma_wait3A, %dma_wait3A_15] : memref<1000000x32xf32, #tpu.memory_space<hbm>> -> memref<1000000x32xf32, #tpu.memory_space<hbm>>
      tpu.wait_indirect_dma semaphore(%arg8 : memref<!tpu.dma_semaphore, #tpu.memory_space<semaphore_mem>>) src(%dma_wait3A_16 : memref<1000000x32xf32, #tpu.memory_space<hbm>>) dst(%arg7 : memref<1024x32xf32, #tpu.memory_space<vmem>>)
      %mul3A_17 = arith.constant 2 : i32
      %mul3A_18 = arith.muli %mul3A_17, %scan3A_8 : i32
      %add3A_19 = arith.constant 0 : i32
      %add3A_20 = arith.addi %mul3A_18, %add3A_19 : i32
      %mul3A_21 = arith.constant 16384 : i32
      %mul3A_22 = arith.muli %add3A_20, %mul3A_21 : i32
      %mul3A_23 = arith.constant 4 : i32
      %mul3A_24 = arith.muli %mul3A_23, %mul3A_2 : i32
      %add3A_25 = arith.addi %mul3A_22, %mul3A_24 : i32
      "tpu.region"() ({
        %run_scoped3A = tpu.sem_alloc : memref<!tpu.dma_semaphore, #tpu.memory_space<semaphore_mem>>
        %dma_start3A_35 = arith.constant 0 : i32
        %dma_start3A_36 = arith.constant 0 : i32
        %dma_start3A_37 = tpu.memref_slice %arg7[%dma_start3A_35, %dma_start3A_36] : memref<1024x32xf32, #tpu.memory_space<vmem>> -> memref<512x32xf32, #tpu.memory_space<vmem>>
        %dma_start3A_38 = arith.constant 0 : i32
        %dma_start3A_39 = tpu.memref_slice %arg4[%add3A_25, %dma_start3A_38] : memref<819200x32xf32, #tpu.memory_space<hbm>> -> memref<512x32xf32, #tpu.memory_space<hbm>>
        %dma_start3A_40 = arith.constant 0 : i32
        %dma_start3A_41 = tpu.memref_slice %arg4[%add3A_25, %dma_start3A_40] : memref<819200x32xf32, #tpu.memory_space<hbm>> -> memref<512x32xf32, #tpu.memory_space<hbm>>
        %dma_start3A_42 = arith.constant 0 : i32
        %dma_start3A_43 = arith.constant 0 : i32
        %dma_start3A_44 = tpu.memref_slice %arg7[%dma_start3A_42, %dma_start3A_43] : memref<1024x32xf32, #tpu.memory_space<vmem>> -> memref<512x32xf32, #tpu.memory_space<vmem>>
        tpu.enqueue_dma source(%dma_start3A_44 : memref<512x32xf32, #tpu.memory_space<vmem>>) target(%dma_start3A_41 : memref<512x32xf32, #tpu.memory_space<hbm>>) target_semaphore(%run_scoped3A : memref<!tpu.dma_semaphore, #tpu.memory_space<semaphore_mem>>)
        %dma_wait3A_45 = arith.constant 0 : i32
        %dma_wait3A_46 = arith.constant 0 : i32
        %dma_wait3A_47 = tpu.memref_slice %arg7[%dma_wait3A_45, %dma_wait3A_46] : memref<1024x32xf32, #tpu.memory_space<vmem>> -> memref<512x32xf32, #tpu.memory_space<vmem>>
        %dma_wait3A_48 = arith.constant 0 : i32
        %dma_wait3A_49 = tpu.memref_slice %arg4[%add3A_25, %dma_wait3A_48] : memref<819200x32xf32, #tpu.memory_space<hbm>> -> memref<512x32xf32, #tpu.memory_space<hbm>>
        %dma_wait3A_50 = arith.constant 0 : i32
        %dma_wait3A_51 = tpu.memref_slice %arg4[%add3A_25, %dma_wait3A_50] : memref<819200x32xf32, #tpu.memory_space<hbm>> -> memref<512x32xf32, #tpu.memory_space<hbm>>
        %dma_wait3A_52 = arith.constant 0 : i32
        %dma_wait3A_53 = arith.constant 0 : i32
        %dma_wait3A_54 = tpu.memref_slice %arg7[%dma_wait3A_52, %dma_wait3A_53] : memref<1024x32xf32, #tpu.memory_space<vmem>> -> memref<512x32xf32, #tpu.memory_space<vmem>>
        tpu.wait_dma2 semaphore(%run_scoped3A : memref<!tpu.dma_semaphore, #tpu.memory_space<semaphore_mem>>) src(%dma_wait3A_54 : memref<512x32xf32, #tpu.memory_space<vmem>>) dst(%dma_wait3A_51 : memref<512x32xf32, #tpu.memory_space<hbm>>)
        tpu.yield
      }) : () -> ()
      %mul3A_26 = arith.constant 2 : i32
      %mul3A_27 = arith.muli %mul3A_26, %scan3A_8 : i32
      %add3A_28 = arith.constant 1 : i32
      %add3A_29 = arith.addi %mul3A_27, %add3A_28 : i32
      %mul3A_30 = arith.constant 16384 : i32
      %mul3A_31 = arith.muli %add3A_29, %mul3A_30 : i32
      %mul3A_32 = arith.constant 4 : i32
      %mul3A_33 = arith.muli %mul3A_32, %mul3A_2 : i32
      %add3A_34 = arith.addi %mul3A_31, %mul3A_33 : i32
      "tpu.region"() ({
        %run_scoped3A = tpu.sem_alloc : memref<!tpu.dma_semaphore, #tpu.memory_space<semaphore_mem>>
        %dma_start3A_35 = arith.constant 512 : i32
        %dma_start3A_36 = arith.constant 0 : i32
        %dma_start3A_37 = tpu.memref_slice %arg7[%dma_start3A_35, %dma_start3A_36] : memref<1024x32xf32, #tpu.memory_space<vmem>> -> memref<512x32xf32, #tpu.memory_space<vmem>>
        %dma_start3A_38 = arith.constant 0 : i32
        %dma_start3A_39 = tpu.memref_slice %arg4[%add3A_34, %dma_start3A_38] : memref<819200x32xf32, #tpu.memory_space<hbm>> -> memref<512x32xf32, #tpu.memory_space<hbm>>
        %dma_start3A_40 = arith.constant 0 : i32
        %dma_start3A_41 = tpu.memref_slice %arg4[%add3A_34, %dma_start3A_40] : memref<819200x32xf32, #tpu.memory_space<hbm>> -> memref<512x32xf32, #tpu.memory_space<hbm>>
        %dma_start3A_42 = arith.constant 512 : i32
        %dma_start3A_43 = arith.constant 0 : i32
        %dma_start3A_44 = tpu.memref_slice %arg7[%dma_start3A_42, %dma_start3A_43] : memref<1024x32xf32, #tpu.memory_space<vmem>> -> memref<512x32xf32, #tpu.memory_space<vmem>>
        tpu.enqueue_dma source(%dma_start3A_44 : memref<512x32xf32, #tpu.memory_space<vmem>>) target(%dma_start3A_41 : memref<512x32xf32, #tpu.memory_space<hbm>>) target_semaphore(%run_scoped3A : memref<!tpu.dma_semaphore, #tpu.memory_space<semaphore_mem>>)
        %dma_wait3A_45 = arith.constant 512 : i32
        %dma_wait3A_46 = arith.constant 0 : i32
        %dma_wait3A_47 = tpu.memref_slice %arg7[%dma_wait3A_45, %dma_wait3A_46] : memref<1024x32xf32, #tpu.memory_space<vmem>> -> memref<512x32xf32, #tpu.memory_space<vmem>>
        %dma_wait3A_48 = arith.constant 0 : i32
        %dma_wait3A_49 = tpu.memref_slice %arg4[%add3A_34, %dma_wait3A_48] : memref<819200x32xf32, #tpu.memory_space<hbm>> -> memref<512x32xf32, #tpu.memory_space<hbm>>
        %dma_wait3A_50 = arith.constant 0 : i32
        %dma_wait3A_51 = tpu.memref_slice %arg4[%add3A_34, %dma_wait3A_50] : memref<819200x32xf32, #tpu.memory_space<hbm>> -> memref<512x32xf32, #tpu.memory_space<hbm>>
        %dma_wait3A_52 = arith.constant 512 : i32
        %dma_wait3A_53 = arith.constant 0 : i32
        %dma_wait3A_54 = tpu.memref_slice %arg7[%dma_wait3A_52, %dma_wait3A_53] : memref<1024x32xf32, #tpu.memory_space<vmem>> -> memref<512x32xf32, #tpu.memory_space<vmem>>
        tpu.wait_dma2 semaphore(%run_scoped3A : memref<!tpu.dma_semaphore, #tpu.memory_space<semaphore_mem>>) src(%dma_wait3A_54 : memref<512x32xf32, #tpu.memory_space<vmem>>) dst(%dma_wait3A_51 : memref<512x32xf32, #tpu.memory_space<hbm>>)
        tpu.yield
      }) : () -> ()
    }
    %scan3A_7 = arith.constant 25 : i32
    return
  }
}

#map = affine_map<(d0, d1) -> (0, 0)>
module attributes {stable_mosaic.version = 14 : i64} {
  func.func @_transpose_body(%arg0: i32, %arg1: i32, %arg2: memref<32x1000000xf32, #tpu.memory_space<hbm>>, %arg3: memref<16x128xf32, #tpu.memory_space<hbm>>, %arg4: memref<250000x128xf32, #tpu.memory_space<hbm>>, %arg5: memref<32x769xf32, #tpu.memory_space<vmem>>, %arg6: memref<32x769xf32, #tpu.memory_space<vmem>>, %arg7: memref<2x192x128xf32, #tpu.memory_space<vmem>>, %arg8: memref<!tpu.dma_semaphore, #tpu.memory_space<semaphore_mem>>, %arg9: memref<!tpu.dma_semaphore, #tpu.memory_space<semaphore_mem>>) attributes {dimension_semantics = [#tpu.dimension_semantics<core_parallel>, #tpu.dimension_semantics<subcore_parallel>], iteration_bounds = array<i64: 2, 16>, scalar_prefetch = 0 : i64, scratch_operands = 5 : i64, tpu.core_type = #tpu.core_type<sc_vector_subcore>, window_params = [{transform_indices = #map}, {transform_indices = #map}, {transform_indices = #map}]} {
    %mul3A = arith.constant 2 : i32
    %mul3A_0 = arith.muli %arg1, %mul3A : i32
    %add3A = arith.addi %mul3A_0, %arg0 : i32
    %sub3A = arith.constant 1301 : i32
    %sub3A_1 = arith.subi %sub3A, %add3A : i32
    %jit3A = arith.constant 32 : i32
    %div3A = arith.divsi %sub3A_1, %jit3A : i32
    %sign3A = arith.constant 0 : i32
    %sign3A_2 = arith.cmpi sgt, %sub3A_1, %sign3A : i32
    %sign3A_3 = arith.extui %sign3A_2 : i1 to i32
    %sign3A_4 = arith.constant 0 : i32
    %sign3A_5 = arith.cmpi slt, %sub3A_1, %sign3A_4 : i32
    %sign3A_6 = arith.extui %sign3A_5 : i1 to i32
    %sign3A_7 = arith.subi %sign3A_3, %sign3A_6 : i32
    %sign3A_8 = arith.constant 0 : i32
    %sign3A_9 = arith.cmpi sgt, %jit3A, %sign3A_8 : i32
    %sign3A_10 = arith.extui %sign3A_9 : i1 to i32
    %sign3A_11 = arith.constant 0 : i32
    %sign3A_12 = arith.cmpi slt, %jit3A, %sign3A_11 : i32
    %sign3A_13 = arith.extui %sign3A_12 : i1 to i32
    %sign3A_14 = arith.subi %sign3A_10, %sign3A_13 : i32
    %ne3A = arith.cmpi ne, %sign3A_7, %sign3A_14 : i32
    %rem3A = arith.remsi %sub3A_1, %jit3A : i32
    %ne3A_15 = arith.constant 0 : i32
    %ne3A_16 = arith.cmpi ne, %rem3A, %ne3A_15 : i32
    %and3A = arith.andi %ne3A, %ne3A_16 : i1
    %sub3A_17 = arith.constant 1 : i32
    %sub3A_18 = arith.subi %div3A, %sub3A_17 : i32
    %select_n3A = arith.select %and3A, %sub3A_18, %div3A : i32
    %add3A_19 = arith.constant 1 : i32
    %add3A_20 = arith.addi %select_n3A, %add3A_19 : i32
    %add3A_21 = arith.constant 0 : i32
    %add3A_22 = arith.addi %add3A_21, %add3A : i32
    %mul3A_23 = arith.constant 768 : i32
    %mul3A_24 = arith.muli %add3A_22, %mul3A_23 : i32
    %dma_start3A = arith.constant 0 : i32
    %dma_start3A_25 = arith.constant 0 : i32
    %dma_start3A_26 = tpu.memref_slice %arg5[%dma_start3A, %dma_start3A_25] : memref<32x769xf32, #tpu.memory_space<vmem>> -> memref<32x768xf32, #tpu.memory_space<vmem>>
    %dma_start3A_27 = arith.constant 0 : i32
    %dma_start3A_28 = tpu.memref_slice %arg2[%dma_start3A_27, %mul3A_24] : memref<32x1000000xf32, #tpu.memory_space<hbm>> -> memref<32x768xf32, #tpu.memory_space<hbm>>
    %dma_start3A_29 = arith.constant 0 : i32
    %dma_start3A_30 = arith.constant 0 : i32
    %dma_start3A_31 = tpu.memref_slice %arg5[%dma_start3A_29, %dma_start3A_30] : memref<32x769xf32, #tpu.memory_space<vmem>> -> memref<32x768xf32, #tpu.memory_space<vmem>>
    %dma_start3A_32 = arith.constant 0 : i32
    %dma_start3A_33 = tpu.memref_slice %arg2[%dma_start3A_32, %mul3A_24] : memref<32x1000000xf32, #tpu.memory_space<hbm>> -> memref<32x768xf32, #tpu.memory_space<hbm>>
    tpu.enqueue_dma source(%dma_start3A_33 : memref<32x768xf32, #tpu.memory_space<hbm>>) target(%dma_start3A_31 : memref<32x768xf32, #tpu.memory_space<vmem>>) target_semaphore(%arg8 : memref<!tpu.dma_semaphore, #tpu.memory_space<semaphore_mem>>)
    %scan3A = arith.constant 0 : i32
    %scan3A_34 = arith.constant 0 : i32
    %scan3A_35 = arith.constant 21 : i32
    %scan3A_36 = arith.addi %scan3A_34, %scan3A_35 : i32
    %scan3A_37 = arith.constant 1 : i32
    scf.for %scan3A_74 = %scan3A_34 to %scan3A_36 step %scan3A_37  : i32 {
      %mul3A_75 = arith.constant 2 : i32
      %mul3A_76 = arith.muli %scan3A_74, %mul3A_75 : i32
      %add3A_77 = arith.constant 0 : i32
      %add3A_78 = arith.addi %mul3A_76, %add3A_77 : i32
      %lt3A = arith.cmpi slt, %add3A_78, %add3A_20 : i32
      %convert_element_type3A_79 = arith.extui %lt3A : i1 to i32
      %cond3A_80 = arith.constant 0 : i32
      %cond3A_81 = arith.cmpi ne, %convert_element_type3A_79, %cond3A_80 : i32
      scf.if %cond3A_81 {
        %mul3A_90 = arith.constant 32 : i32
        %mul3A_91 = arith.muli %add3A_78, %mul3A_90 : i32
        %add3A_92 = arith.addi %mul3A_91, %add3A : i32
        %mul3A_93 = arith.constant 768 : i32
        %mul3A_94 = arith.muli %add3A_92, %mul3A_93 : i32
        %dma_wait3A_95 = arith.constant 0 : i32
        %dma_wait3A_96 = arith.constant 0 : i32
        %dma_wait3A_97 = tpu.memref_slice %arg5[%dma_wait3A_95, %dma_wait3A_96] : memref<32x769xf32, #tpu.memory_space<vmem>> -> memref<32x768xf32, #tpu.memory_space<vmem>>
        %dma_wait3A_98 = arith.constant 0 : i32
        %dma_wait3A_99 = tpu.memref_slice %arg2[%dma_wait3A_98, %mul3A_94] : memref<32x1000000xf32, #tpu.memory_space<hbm>> -> memref<32x768xf32, #tpu.memory_space<hbm>>
        %dma_wait3A_100 = arith.constant 0 : i32
        %dma_wait3A_101 = arith.constant 0 : i32
        %dma_wait3A_102 = tpu.memref_slice %arg5[%dma_wait3A_100, %dma_wait3A_101] : memref<32x769xf32, #tpu.memory_space<vmem>> -> memref<32x768xf32, #tpu.memory_space<vmem>>
        %dma_wait3A_103 = arith.constant 0 : i32
        %dma_wait3A_104 = tpu.memref_slice %arg2[%dma_wait3A_103, %mul3A_94] : memref<32x1000000xf32, #tpu.memory_space<hbm>> -> memref<32x768xf32, #tpu.memory_space<hbm>>
        tpu.wait_dma2 semaphore(%arg8 : memref<!tpu.dma_semaphore, #tpu.memory_space<semaphore_mem>>) src(%dma_wait3A_104 : memref<32x768xf32, #tpu.memory_space<hbm>>) dst(%dma_wait3A_102 : memref<32x768xf32, #tpu.memory_space<vmem>>)
        %add3A_105 = arith.constant 1 : i32
        %add3A_106 = arith.addi %add3A_78, %add3A_105 : i32
        %lt3A_107 = arith.cmpi slt, %add3A_106, %add3A_20 : i32
        %convert_element_type3A_108 = arith.extui %lt3A_107 : i1 to i32
        %cond3A_109 = arith.constant 0 : i32
        %cond3A_110 = arith.cmpi ne, %convert_element_type3A_108, %cond3A_109 : i32
        scf.if %cond3A_110 {
          %add3A_135 = arith.constant 1 : i32
          %add3A_136 = arith.addi %add3A_78, %add3A_135 : i32
          %mul3A_137 = arith.constant 32 : i32
          %mul3A_138 = arith.muli %add3A_136, %mul3A_137 : i32
          %add3A_139 = arith.addi %mul3A_138, %add3A : i32
          %mul3A_140 = arith.constant 768 : i32
          %mul3A_141 = arith.muli %add3A_139, %mul3A_140 : i32
          %dma_start3A_142 = arith.constant 0 : i32
          %dma_start3A_143 = arith.constant 0 : i32
          %dma_start3A_144 = tpu.memref_slice %arg6[%dma_start3A_142, %dma_start3A_143] : memref<32x769xf32, #tpu.memory_space<vmem>> -> memref<32x768xf32, #tpu.memory_space<vmem>>
          %dma_start3A_145 = arith.constant 0 : i32
          %dma_start3A_146 = tpu.memref_slice %arg2[%dma_start3A_145, %mul3A_141] : memref<32x1000000xf32, #tpu.memory_space<hbm>> -> memref<32x768xf32, #tpu.memory_space<hbm>>
          %dma_start3A_147 = arith.constant 0 : i32
          %dma_start3A_148 = arith.constant 0 : i32
          %dma_start3A_149 = tpu.memref_slice %arg6[%dma_start3A_147, %dma_start3A_148] : memref<32x769xf32, #tpu.memory_space<vmem>> -> memref<32x768xf32, #tpu.memory_space<vmem>>
          %dma_start3A_150 = arith.constant 0 : i32
          %dma_start3A_151 = tpu.memref_slice %arg2[%dma_start3A_150, %mul3A_141] : memref<32x1000000xf32, #tpu.memory_space<hbm>> -> memref<32x768xf32, #tpu.memory_space<hbm>>
          tpu.enqueue_dma source(%dma_start3A_151 : memref<32x768xf32, #tpu.memory_space<hbm>>) target(%dma_start3A_149 : memref<32x768xf32, #tpu.memory_space<vmem>>) target_semaphore(%arg8 : memref<!tpu.dma_semaphore, #tpu.memory_space<semaphore_mem>>)
        } else {
        }
        %ge3A = arith.constant 2 : i32
        %ge3A_111 = arith.cmpi sge, %add3A_78, %ge3A : i32
        %convert_element_type3A_112 = arith.extui %ge3A_111 : i1 to i32
        %cond3A_113 = arith.constant 0 : i32
        %cond3A_114 = arith.cmpi ne, %convert_element_type3A_112, %cond3A_113 : i32
        scf.if %cond3A_114 {
          %sub3A_135 = arith.constant 2 : i32
          %sub3A_136 = arith.subi %add3A_78, %sub3A_135 : i32
          %mul3A_137 = arith.constant 32 : i32
          %mul3A_138 = arith.muli %sub3A_136, %mul3A_137 : i32
          %add3A_139 = arith.addi %mul3A_138, %add3A : i32
          %mul3A_140 = arith.constant 192 : i32
          %mul3A_141 = arith.muli %add3A_139, %mul3A_140 : i32
          %dma_wait3A_142 = arith.constant 0 : i32
          %dma_wait3A_143 = arith.constant 0 : i32
          %dma_wait3A_144 = arith.constant 0 : i32
          %dma_wait3A_145 = tpu.memref_slice %arg7[%dma_wait3A_142, %dma_wait3A_143, %dma_wait3A_144] : memref<2x192x128xf32, #tpu.memory_space<vmem>> -> memref<1x192x128xf32, #tpu.memory_space<vmem>>
          %dma_wait3A_146 = tpu.memref_squeeze %dma_wait3A_145 : memref<1x192x128xf32, #tpu.memory_space<vmem>> -> memref<192x128xf32, #tpu.memory_space<vmem>>
          %dma_wait3A_147 = arith.constant 0 : i32
          %dma_wait3A_148 = tpu.memref_slice %arg4[%mul3A_141, %dma_wait3A_147] : memref<250000x128xf32, #tpu.memory_space<hbm>> -> memref<192x128xf32, #tpu.memory_space<hbm>>
          %dma_wait3A_149 = arith.constant 0 : i32
          %dma_wait3A_150 = tpu.memref_slice %arg4[%mul3A_141, %dma_wait3A_149] : memref<250000x128xf32, #tpu.memory_space<hbm>> -> memref<192x128xf32, #tpu.memory_space<hbm>>
          %dma_wait3A_151 = arith.constant 0 : i32
          %dma_wait3A_152 = arith.constant 0 : i32
          %dma_wait3A_153 = tpu.memref_slice %arg7[%dma_wait3A_142, %dma_wait3A_151, %dma_wait3A_152] : memref<2x192x128xf32, #tpu.memory_space<vmem>> -> memref<1x192x128xf32, #tpu.memory_space<vmem>>
          %dma_wait3A_154 = tpu.memref_squeeze %dma_wait3A_153 : memref<1x192x128xf32, #tpu.memory_space<vmem>> -> memref<192x128xf32, #tpu.memory_space<vmem>>
          tpu.wait_dma2 semaphore(%arg9 : memref<!tpu.dma_semaphore, #tpu.memory_space<semaphore_mem>>) src(%dma_wait3A_154 : memref<192x128xf32, #tpu.memory_space<vmem>>) dst(%dma_wait3A_150 : memref<192x128xf32, #tpu.memory_space<hbm>>)
        } else {
        }
        %iota3A = tpu.iota {dimensions = array<i32: 0>} : vector<16xi32>
        %parallel_loop3A = arith.constant 0 : i32
        %parallel_loop3A_115 = arith.constant 192 : i32
        %parallel_loop3A_116 = arith.constant 1 : i32
        scf.for %parallel_loop3A_135 = %parallel_loop3A to %parallel_loop3A_115 step %parallel_loop3A_116  : i32 {
          %parallel_loop3A_136 = arith.constant 4 : i32
          %parallel_loop3A_137 = arith.muli %parallel_loop3A_136, %parallel_loop3A_135 : i32
          %parallel_loop3A_138 = arith.constant 0 : i32
          %parallel_loop3A_139 = arith.addi %parallel_loop3A_137, %parallel_loop3A_138 : i32
          %parallel_loop3A_140 = arith.constant 0 : i32
          %parallel_loop3A_141 = vector.broadcast %parallel_loop3A_140 : i32 to vector<16xi32>
          %parallel_loop3A_142 = arith.addi %parallel_loop3A_141, %iota3A : vector<16xi32>
          %parallel_loop3A_143 = arith.constant 0 : i32
          %parallel_loop3A_144 = vector.broadcast %parallel_loop3A_143 : i32 to vector<16xi32>
          %parallel_loop3A_145 = arith.muli %iota3A, %parallel_loop3A_144 : vector<16xi32>
          %parallel_loop3A_146 = vector.broadcast %parallel_loop3A_139 : i32 to vector<16xi32>
          %parallel_loop3A_147 = arith.addi %parallel_loop3A_145, %parallel_loop3A_146 : vector<16xi32>
          %parallel_loop3A_148 = tpu.vector_load_idx %arg5[%parallel_loop3A_142, %parallel_loop3A_147] : memref<32x769xf32, #tpu.memory_space<vmem>>[vector<16xi32>, vector<16xi32>], vector<16xf32>,
          %parallel_loop3A_149 = arith.constant 0 : i32
          %parallel_loop3A_150 = arith.index_cast %parallel_loop3A_149 : i32 to index
          %parallel_loop3A_151 = arith.index_cast %parallel_loop3A_135 : i32 to index
          %parallel_loop3A_152 = arith.constant 0 : index
          %parallel_loop3A_153 = tpu.vector_load %arg7[%parallel_loop3A_150, %parallel_loop3A_151, %parallel_loop3A_152] {strides = array<i32>} : memref<2x192x128xf32, #tpu.memory_space<vmem>>, vector<16xf32>,
          tpu.vector_store %arg7[%parallel_loop3A_150, %parallel_loop3A_151, %parallel_loop3A_152], %parallel_loop3A_148 {strides = array<i32>} : memref<2x192x128xf32, #tpu.memory_space<vmem>>, vector<16xf32>,
          %parallel_loop3A_154 = arith.constant 16 : i32
          %parallel_loop3A_155 = vector.broadcast %parallel_loop3A_154 : i32 to vector<16xi32>
          %parallel_loop3A_156 = arith.addi %parallel_loop3A_155, %iota3A : vector<16xi32>
          %parallel_loop3A_157 = arith.constant 0 : i32
          %parallel_loop3A_158 = vector.broadcast %parallel_loop3A_157 : i32 to vector<16xi32>
          %parallel_loop3A_159 = arith.muli %iota3A, %parallel_loop3A_158 : vector<16xi32>
          %parallel_loop3A_160 = vector.broadcast %parallel_loop3A_139 : i32 to vector<16xi32>
          %parallel_loop3A_161 = arith.addi %parallel_loop3A_159, %parallel_loop3A_160 : vector<16xi32>
          %parallel_loop3A_162 = tpu.vector_load_idx %arg5[%parallel_loop3A_156, %parallel_loop3A_161] : memref<32x769xf32, #tpu.memory_space<vmem>>[vector<16xi32>, vector<16xi32>], vector<16xf32>,
          %parallel_loop3A_163 = arith.constant 0 : i32
          %parallel_loop3A_164 = arith.index_cast %parallel_loop3A_163 : i32 to index
          %parallel_loop3A_165 = arith.index_cast %parallel_loop3A_135 : i32 to index
          %parallel_loop3A_166 = arith.constant 16 : index
          %parallel_loop3A_167 = tpu.vector_load %arg7[%parallel_loop3A_164, %parallel_loop3A_165, %parallel_loop3A_166] {strides = array<i32>} : memref<2x192x128xf32, #tpu.memory_space<vmem>>, vector<16xf32>,
          tpu.vector_store %arg7[%parallel_loop3A_164, %parallel_loop3A_165, %parallel_loop3A_166], %parallel_loop3A_162 {strides = array<i32>} : memref<2x192x128xf32, #tpu.memory_space<vmem>>, vector<16xf32>,
          %parallel_loop3A_168 = arith.constant 4 : i32
          %parallel_loop3A_169 = arith.muli %parallel_loop3A_168, %parallel_loop3A_135 : i32
          %parallel_loop3A_170 = arith.constant 1 : i32
          %parallel_loop3A_171 = arith.addi %parallel_loop3A_169, %parallel_loop3A_170 : i32
          %parallel_loop3A_172 = arith.constant 0 : i32
          %parallel_loop3A_173 = vector.broadcast %parallel_loop3A_172 : i32 to vector<16xi32>
          %parallel_loop3A_174 = arith.addi %parallel_loop3A_173, %iota3A : vector<16xi32>
          %parallel_loop3A_175 = arith.constant 0 : i32
          %parallel_loop3A_176 = vector.broadcast %parallel_loop3A_175 : i32 to vector<16xi32>
          %parallel_loop3A_177 = arith.muli %iota3A, %parallel_loop3A_176 : vector<16xi32>
          %parallel_loop3A_178 = vector.broadcast %parallel_loop3A_171 : i32 to vector<16xi32>
          %parallel_loop3A_179 = arith.addi %parallel_loop3A_177, %parallel_loop3A_178 : vector<16xi32>
          %parallel_loop3A_180 = tpu.vector_load_idx %arg5[%parallel_loop3A_174, %parallel_loop3A_179] : memref<32x769xf32, #tpu.memory_space<vmem>>[vector<16xi32>, vector<16xi32>], vector<16xf32>,
          %parallel_loop3A_181 = arith.constant 0 : i32
          %parallel_loop3A_182 = arith.index_cast %parallel_loop3A_181 : i32 to index
          %parallel_loop3A_183 = arith.index_cast %parallel_loop3A_135 : i32 to index
          %parallel_loop3A_184 = arith.constant 32 : index
          %parallel_loop3A_185 = tpu.vector_load %arg7[%parallel_loop3A_182, %parallel_loop3A_183, %parallel_loop3A_184] {strides = array<i32>} : memref<2x192x128xf32, #tpu.memory_space<vmem>>, vector<16xf32>,
          tpu.vector_store %arg7[%parallel_loop3A_182, %parallel_loop3A_183, %parallel_loop3A_184], %parallel_loop3A_180 {strides = array<i32>} : memref<2x192x128xf32, #tpu.memory_space<vmem>>, vector<16xf32>,
          %parallel_loop3A_186 = arith.constant 16 : i32
          %parallel_loop3A_187 = vector.broadcast %parallel_loop3A_186 : i32 to vector<16xi32>
          %parallel_loop3A_188 = arith.addi %parallel_loop3A_187, %iota3A : vector<16xi32>
          %parallel_loop3A_189 = arith.constant 0 : i32
          %parallel_loop3A_190 = vector.broadcast %parallel_loop3A_189 : i32 to vector<16xi32>
          %parallel_loop3A_191 = arith.muli %iota3A, %parallel_loop3A_190 : vector<16xi32>
          %parallel_loop3A_192 = vector.broadcast %parallel_loop3A_171 : i32 to vector<16xi32>
          %parallel_loop3A_193 = arith.addi %parallel_loop3A_191, %parallel_loop3A_192 : vector<16xi32>
          %parallel_loop3A_194 = tpu.vector_load_idx %arg5[%parallel_loop3A_188, %parallel_loop3A_193] : memref<32x769xf32, #tpu.memory_space<vmem>>[vector<16xi32>, vector<16xi32>], vector<16xf32>,
          %parallel_loop3A_195 = arith.constant 0 : i32
          %parallel_loop3A_196 = arith.index_cast %parallel_loop3A_195 : i32 to index
          %parallel_loop3A_197 = arith.index_cast %parallel_loop3A_135 : i32 to index
          %parallel_loop3A_198 = arith.constant 48 : index
          %parallel_loop3A_199 = tpu.vector_load %arg7[%parallel_loop3A_196, %parallel_loop3A_197, %parallel_loop3A_198] {strides = array<i32>} : memref<2x192x128xf32, #tpu.memory_space<vmem>>, vector<16xf32>,
          tpu.vector_store %arg7[%parallel_loop3A_196, %parallel_loop3A_197, %parallel_loop3A_198], %parallel_loop3A_194 {strides = array<i32>} : memref<2x192x128xf32, #tpu.memory_space<vmem>>, vector<16xf32>,
          %parallel_loop3A_200 = arith.constant 4 : i32
          %parallel_loop3A_201 = arith.muli %parallel_loop3A_200, %parallel_loop3A_135 : i32
          %parallel_loop3A_202 = arith.constant 2 : i32
          %parallel_loop3A_203 = arith.addi %parallel_loop3A_201, %parallel_loop3A_202 : i32
          %parallel_loop3A_204 = arith.constant 0 : i32
          %parallel_loop3A_205 = vector.broadcast %parallel_loop3A_204 : i32 to vector<16xi32>
          %parallel_loop3A_206 = arith.addi %parallel_loop3A_205, %iota3A : vector<16xi32>
          %parallel_loop3A_207 = arith.constant 0 : i32
          %parallel_loop3A_208 = vector.broadcast %parallel_loop3A_207 : i32 to vector<16xi32>
          %parallel_loop3A_209 = arith.muli %iota3A, %parallel_loop3A_208 : vector<16xi32>
          %parallel_loop3A_210 = vector.broadcast %parallel_loop3A_203 : i32 to vector<16xi32>
          %parallel_loop3A_211 = arith.addi %parallel_loop3A_209, %parallel_loop3A_210 : vector<16xi32>
          %parallel_loop3A_212 = tpu.vector_load_idx %arg5[%parallel_loop3A_206, %parallel_loop3A_211] : memref<32x769xf32, #tpu.memory_space<vmem>>[vector<16xi32>, vector<16xi32>], vector<16xf32>,
          %parallel_loop3A_213 = arith.constant 0 : i32
          %parallel_loop3A_214 = arith.index_cast %parallel_loop3A_213 : i32 to index
          %parallel_loop3A_215 = arith.index_cast %parallel_loop3A_135 : i32 to index
          %parallel_loop3A_216 = arith.constant 64 : index
          %parallel_loop3A_217 = tpu.vector_load %arg7[%parallel_loop3A_214, %parallel_loop3A_215, %parallel_loop3A_216] {strides = array<i32>} : memref<2x192x128xf32, #tpu.memory_space<vmem>>, vector<16xf32>,
          tpu.vector_store %arg7[%parallel_loop3A_214, %parallel_loop3A_215, %parallel_loop3A_216], %parallel_loop3A_212 {strides = array<i32>} : memref<2x192x128xf32, #tpu.memory_space<vmem>>, vector<16xf32>,
          %parallel_loop3A_218 = arith.constant 16 : i32
          %parallel_loop3A_219 = vector.broadcast %parallel_loop3A_218 : i32 to vector<16xi32>
          %parallel_loop3A_220 = arith.addi %parallel_loop3A_219, %iota3A : vector<16xi32>
          %parallel_loop3A_221 = arith.constant 0 : i32
          %parallel_loop3A_222 = vector.broadcast %parallel_loop3A_221 : i32 to vector<16xi32>
          %parallel_loop3A_223 = arith.muli %iota3A, %parallel_loop3A_222 : vector<16xi32>
          %parallel_loop3A_224 = vector.broadcast %parallel_loop3A_203 : i32 to vector<16xi32>
          %parallel_loop3A_225 = arith.addi %parallel_loop3A_223, %parallel_loop3A_224 : vector<16xi32>
          %parallel_loop3A_226 = tpu.vector_load_idx %arg5[%parallel_loop3A_220, %parallel_loop3A_225] : memref<32x769xf32, #tpu.memory_space<vmem>>[vector<16xi32>, vector<16xi32>], vector<16xf32>,
          %parallel_loop3A_227 = arith.constant 0 : i32
          %parallel_loop3A_228 = arith.index_cast %parallel_loop3A_227 : i32 to index
          %parallel_loop3A_229 = arith.index_cast %parallel_loop3A_135 : i32 to index
          %parallel_loop3A_230 = arith.constant 80 : index
          %parallel_loop3A_231 = tpu.vector_load %arg7[%parallel_loop3A_228, %parallel_loop3A_229, %parallel_loop3A_230] {strides = array<i32>} : memref<2x192x128xf32, #tpu.memory_space<vmem>>, vector<16xf32>,
          tpu.vector_store %arg7[%parallel_loop3A_228, %parallel_loop3A_229, %parallel_loop3A_230], %parallel_loop3A_226 {strides = array<i32>} : memref<2x192x128xf32, #tpu.memory_space<vmem>>, vector<16xf32>,
          %parallel_loop3A_232 = arith.constant 4 : i32
          %parallel_loop3A_233 = arith.muli %parallel_loop3A_232, %parallel_loop3A_135 : i32
          %parallel_loop3A_234 = arith.constant 3 : i32
          %parallel_loop3A_235 = arith.addi %parallel_loop3A_233, %parallel_loop3A_234 : i32
          %parallel_loop3A_236 = arith.constant 0 : i32
          %parallel_loop3A_237 = vector.broadcast %parallel_loop3A_236 : i32 to vector<16xi32>
          %parallel_loop3A_238 = arith.addi %parallel_loop3A_237, %iota3A : vector<16xi32>
          %parallel_loop3A_239 = arith.constant 0 : i32
          %parallel_loop3A_240 = vector.broadcast %parallel_loop3A_239 : i32 to vector<16xi32>
          %parallel_loop3A_241 = arith.muli %iota3A, %parallel_loop3A_240 : vector<16xi32>
          %parallel_loop3A_242 = vector.broadcast %parallel_loop3A_235 : i32 to vector<16xi32>
          %parallel_loop3A_243 = arith.addi %parallel_loop3A_241, %parallel_loop3A_242 : vector<16xi32>
          %parallel_loop3A_244 = tpu.vector_load_idx %arg5[%parallel_loop3A_238, %parallel_loop3A_243] : memref<32x769xf32, #tpu.memory_space<vmem>>[vector<16xi32>, vector<16xi32>], vector<16xf32>,
          %parallel_loop3A_245 = arith.constant 0 : i32
          %parallel_loop3A_246 = arith.index_cast %parallel_loop3A_245 : i32 to index
          %parallel_loop3A_247 = arith.index_cast %parallel_loop3A_135 : i32 to index
          %parallel_loop3A_248 = arith.constant 96 : index
          %parallel_loop3A_249 = tpu.vector_load %arg7[%parallel_loop3A_246, %parallel_loop3A_247, %parallel_loop3A_248] {strides = array<i32>} : memref<2x192x128xf32, #tpu.memory_space<vmem>>, vector<16xf32>,
          tpu.vector_store %arg7[%parallel_loop3A_246, %parallel_loop3A_247, %parallel_loop3A_248], %parallel_loop3A_244 {strides = array<i32>} : memref<2x192x128xf32, #tpu.memory_space<vmem>>, vector<16xf32>,
          %parallel_loop3A_250 = arith.constant 16 : i32
          %parallel_loop3A_251 = vector.broadcast %parallel_loop3A_250 : i32 to vector<16xi32>
          %parallel_loop3A_252 = arith.addi %parallel_loop3A_251, %iota3A : vector<16xi32>
          %parallel_loop3A_253 = arith.constant 0 : i32
          %parallel_loop3A_254 = vector.broadcast %parallel_loop3A_253 : i32 to vector<16xi32>
          %parallel_loop3A_255 = arith.muli %iota3A, %parallel_loop3A_254 : vector<16xi32>
          %parallel_loop3A_256 = vector.broadcast %parallel_loop3A_235 : i32 to vector<16xi32>
          %parallel_loop3A_257 = arith.addi %parallel_loop3A_255, %parallel_loop3A_256 : vector<16xi32>
          %parallel_loop3A_258 = tpu.vector_load_idx %arg5[%parallel_loop3A_252, %parallel_loop3A_257] : memref<32x769xf32, #tpu.memory_space<vmem>>[vector<16xi32>, vector<16xi32>], vector<16xf32>,
          %parallel_loop3A_259 = arith.constant 0 : i32
          %parallel_loop3A_260 = arith.index_cast %parallel_loop3A_259 : i32 to index
          %parallel_loop3A_261 = arith.index_cast %parallel_loop3A_135 : i32 to index
          %parallel_loop3A_262 = arith.constant 112 : index
          %parallel_loop3A_263 = tpu.vector_load %arg7[%parallel_loop3A_260, %parallel_loop3A_261, %parallel_loop3A_262] {strides = array<i32>} : memref<2x192x128xf32, #tpu.memory_space<vmem>>, vector<16xf32>,
          tpu.vector_store %arg7[%parallel_loop3A_260, %parallel_loop3A_261, %parallel_loop3A_262], %parallel_loop3A_258 {strides = array<i32>} : memref<2x192x128xf32, #tpu.memory_space<vmem>>, vector<16xf32>,
        } {sc.loop_unroll_factor = 4 : i64, sc.parallel_access}
        %mul3A_117 = arith.constant 32 : i32
        %mul3A_118 = arith.muli %add3A_78, %mul3A_117 : i32
        %add3A_119 = arith.addi %mul3A_118, %add3A : i32
        %mul3A_120 = arith.constant 192 : i32
        %mul3A_121 = arith.muli %add3A_119, %mul3A_120 : i32
        %dma_start3A_122 = arith.constant 0 : i32
        %dma_start3A_123 = arith.constant 0 : i32
        %dma_start3A_124 = arith.constant 0 : i32
        %dma_start3A_125 = tpu.memref_slice %arg7[%dma_start3A_122, %dma_start3A_123, %dma_start3A_124] : memref<2x192x128xf32, #tpu.memory_space<vmem>> -> memref<1x192x128xf32, #tpu.memory_space<vmem>>
        %dma_start3A_126 = tpu.memref_squeeze %dma_start3A_125 : memref<1x192x128xf32, #tpu.memory_space<vmem>> -> memref<192x128xf32, #tpu.memory_space<vmem>>
        %dma_start3A_127 = arith.constant 0 : i32
        %dma_start3A_128 = tpu.memref_slice %arg4[%mul3A_121, %dma_start3A_127] : memref<250000x128xf32, #tpu.memory_space<hbm>> -> memref<192x128xf32, #tpu.memory_space<hbm>>
        %dma_start3A_129 = arith.constant 0 : i32
        %dma_start3A_130 = tpu.memref_slice %arg4[%mul3A_121, %dma_start3A_129] : memref<250000x128xf32, #tpu.memory_space<hbm>> -> memref<192x128xf32, #tpu.memory_space<hbm>>
        %dma_start3A_131 = arith.constant 0 : i32
        %dma_start3A_132 = arith.constant 0 : i32
        %dma_start3A_133 = tpu.memref_slice %arg7[%dma_start3A_122, %dma_start3A_131, %dma_start3A_132] : memref<2x192x128xf32, #tpu.memory_space<vmem>> -> memref<1x192x128xf32, #tpu.memory_space<vmem>>
        %dma_start3A_134 = tpu.memref_squeeze %dma_start3A_133 : memref<1x192x128xf32, #tpu.memory_space<vmem>> -> memref<192x128xf32, #tpu.memory_space<vmem>>
        tpu.enqueue_dma source(%dma_start3A_134 : memref<192x128xf32, #tpu.memory_space<vmem>>) target(%dma_start3A_130 : memref<192x128xf32, #tpu.memory_space<hbm>>) target_semaphore(%arg9 : memref<!tpu.dma_semaphore, #tpu.memory_space<semaphore_mem>>)
      } else {
      }
      %mul3A_82 = arith.constant 2 : i32
      %mul3A_83 = arith.muli %scan3A_74, %mul3A_82 : i32
      %add3A_84 = arith.constant 1 : i32
      %add3A_85 = arith.addi %mul3A_83, %add3A_84 : i32
      %lt3A_86 = arith.cmpi slt, %add3A_85, %add3A_20 : i32
      %convert_element_type3A_87 = arith.extui %lt3A_86 : i1 to i32
      %cond3A_88 = arith.constant 0 : i32
      %cond3A_89 = arith.cmpi ne, %convert_element_type3A_87, %cond3A_88 : i32
      scf.if %cond3A_89 {
        %mul3A_90 = arith.constant 32 : i32
        %mul3A_91 = arith.muli %add3A_85, %mul3A_90 : i32
        %add3A_92 = arith.addi %mul3A_91, %add3A : i32
        %mul3A_93 = arith.constant 768 : i32
        %mul3A_94 = arith.muli %add3A_92, %mul3A_93 : i32
        %dma_wait3A_95 = arith.constant 0 : i32
        %dma_wait3A_96 = arith.constant 0 : i32
        %dma_wait3A_97 = tpu.memref_slice %arg6[%dma_wait3A_95, %dma_wait3A_96] : memref<32x769xf32, #tpu.memory_space<vmem>> -> memref<32x768xf32, #tpu.memory_space<vmem>>
        %dma_wait3A_98 = arith.constant 0 : i32
        %dma_wait3A_99 = tpu.memref_slice %arg2[%dma_wait3A_98, %mul3A_94] : memref<32x1000000xf32, #tpu.memory_space<hbm>> -> memref<32x768xf32, #tpu.memory_space<hbm>>
        %dma_wait3A_100 = arith.constant 0 : i32
        %dma_wait3A_101 = arith.constant 0 : i32
        %dma_wait3A_102 = tpu.memref_slice %arg6[%dma_wait3A_100, %dma_wait3A_101] : memref<32x769xf32, #tpu.memory_space<vmem>> -> memref<32x768xf32, #tpu.memory_space<vmem>>
        %dma_wait3A_103 = arith.constant 0 : i32
        %dma_wait3A_104 = tpu.memref_slice %arg2[%dma_wait3A_103, %mul3A_94] : memref<32x1000000xf32, #tpu.memory_space<hbm>> -> memref<32x768xf32, #tpu.memory_space<hbm>>
        tpu.wait_dma2 semaphore(%arg8 : memref<!tpu.dma_semaphore, #tpu.memory_space<semaphore_mem>>) src(%dma_wait3A_104 : memref<32x768xf32, #tpu.memory_space<hbm>>) dst(%dma_wait3A_102 : memref<32x768xf32, #tpu.memory_space<vmem>>)
        %add3A_105 = arith.constant 1 : i32
        %add3A_106 = arith.addi %add3A_85, %add3A_105 : i32
        %lt3A_107 = arith.cmpi slt, %add3A_106, %add3A_20 : i32
        %convert_element_type3A_108 = arith.extui %lt3A_107 : i1 to i32
        %cond3A_109 = arith.constant 0 : i32
        %cond3A_110 = arith.cmpi ne, %convert_element_type3A_108, %cond3A_109 : i32
        scf.if %cond3A_110 {
          %add3A_135 = arith.constant 1 : i32
          %add3A_136 = arith.addi %add3A_85, %add3A_135 : i32
          %mul3A_137 = arith.constant 32 : i32
          %mul3A_138 = arith.muli %add3A_136, %mul3A_137 : i32
          %add3A_139 = arith.addi %mul3A_138, %add3A : i32
          %mul3A_140 = arith.constant 768 : i32
          %mul3A_141 = arith.muli %add3A_139, %mul3A_140 : i32
          %dma_start3A_142 = arith.constant 0 : i32
          %dma_start3A_143 = arith.constant 0 : i32
          %dma_start3A_144 = tpu.memref_slice %arg5[%dma_start3A_142, %dma_start3A_143] : memref<32x769xf32, #tpu.memory_space<vmem>> -> memref<32x768xf32, #tpu.memory_space<vmem>>
          %dma_start3A_145 = arith.constant 0 : i32
          %dma_start3A_146 = tpu.memref_slice %arg2[%dma_start3A_145, %mul3A_141] : memref<32x1000000xf32, #tpu.memory_space<hbm>> -> memref<32x768xf32, #tpu.memory_space<hbm>>
          %dma_start3A_147 = arith.constant 0 : i32
          %dma_start3A_148 = arith.constant 0 : i32
          %dma_start3A_149 = tpu.memref_slice %arg5[%dma_start3A_147, %dma_start3A_148] : memref<32x769xf32, #tpu.memory_space<vmem>> -> memref<32x768xf32, #tpu.memory_space<vmem>>
          %dma_start3A_150 = arith.constant 0 : i32
          %dma_start3A_151 = tpu.memref_slice %arg2[%dma_start3A_150, %mul3A_141] : memref<32x1000000xf32, #tpu.memory_space<hbm>> -> memref<32x768xf32, #tpu.memory_space<hbm>>
          tpu.enqueue_dma source(%dma_start3A_151 : memref<32x768xf32, #tpu.memory_space<hbm>>) target(%dma_start3A_149 : memref<32x768xf32, #tpu.memory_space<vmem>>) target_semaphore(%arg8 : memref<!tpu.dma_semaphore, #tpu.memory_space<semaphore_mem>>)
        } else {
        }
        %ge3A = arith.constant 2 : i32
        %ge3A_111 = arith.cmpi sge, %add3A_85, %ge3A : i32
        %convert_element_type3A_112 = arith.extui %ge3A_111 : i1 to i32
        %cond3A_113 = arith.constant 0 : i32
        %cond3A_114 = arith.cmpi ne, %convert_element_type3A_112, %cond3A_113 : i32
        scf.if %cond3A_114 {
          %sub3A_135 = arith.constant 2 : i32
          %sub3A_136 = arith.subi %add3A_85, %sub3A_135 : i32
          %mul3A_137 = arith.constant 32 : i32
          %mul3A_138 = arith.muli %sub3A_136, %mul3A_137 : i32
          %add3A_139 = arith.addi %mul3A_138, %add3A : i32
          %mul3A_140 = arith.constant 192 : i32
          %mul3A_141 = arith.muli %add3A_139, %mul3A_140 : i32
          %dma_wait3A_142 = arith.constant 1 : i32
          %dma_wait3A_143 = arith.constant 0 : i32
          %dma_wait3A_144 = arith.constant 0 : i32
          %dma_wait3A_145 = tpu.memref_slice %arg7[%dma_wait3A_142, %dma_wait3A_143, %dma_wait3A_144] : memref<2x192x128xf32, #tpu.memory_space<vmem>> -> memref<1x192x128xf32, #tpu.memory_space<vmem>>
          %dma_wait3A_146 = tpu.memref_squeeze %dma_wait3A_145 : memref<1x192x128xf32, #tpu.memory_space<vmem>> -> memref<192x128xf32, #tpu.memory_space<vmem>>
          %dma_wait3A_147 = arith.constant 0 : i32
          %dma_wait3A_148 = tpu.memref_slice %arg4[%mul3A_141, %dma_wait3A_147] : memref<250000x128xf32, #tpu.memory_space<hbm>> -> memref<192x128xf32, #tpu.memory_space<hbm>>
          %dma_wait3A_149 = arith.constant 0 : i32
          %dma_wait3A_150 = tpu.memref_slice %arg4[%mul3A_141, %dma_wait3A_149] : memref<250000x128xf32, #tpu.memory_space<hbm>> -> memref<192x128xf32, #tpu.memory_space<hbm>>
          %dma_wait3A_151 = arith.constant 0 : i32
          %dma_wait3A_152 = arith.constant 0 : i32
          %dma_wait3A_153 = tpu.memref_slice %arg7[%dma_wait3A_142, %dma_wait3A_151, %dma_wait3A_152] : memref<2x192x128xf32, #tpu.memory_space<vmem>> -> memref<1x192x128xf32, #tpu.memory_space<vmem>>
          %dma_wait3A_154 = tpu.memref_squeeze %dma_wait3A_153 : memref<1x192x128xf32, #tpu.memory_space<vmem>> -> memref<192x128xf32, #tpu.memory_space<vmem>>
          tpu.wait_dma2 semaphore(%arg9 : memref<!tpu.dma_semaphore, #tpu.memory_space<semaphore_mem>>) src(%dma_wait3A_154 : memref<192x128xf32, #tpu.memory_space<vmem>>) dst(%dma_wait3A_150 : memref<192x128xf32, #tpu.memory_space<hbm>>)
        } else {
        }
        %iota3A = tpu.iota {dimensions = array<i32: 0>} : vector<16xi32>
        %parallel_loop3A = arith.constant 0 : i32
        %parallel_loop3A_115 = arith.constant 192 : i32
        %parallel_loop3A_116 = arith.constant 1 : i32
        scf.for %parallel_loop3A_135 = %parallel_loop3A to %parallel_loop3A_115 step %parallel_loop3A_116  : i32 {
          %parallel_loop3A_136 = arith.constant 4 : i32
          %parallel_loop3A_137 = arith.muli %parallel_loop3A_136, %parallel_loop3A_135 : i32
          %parallel_loop3A_138 = arith.constant 0 : i32
          %parallel_loop3A_139 = arith.addi %parallel_loop3A_137, %parallel_loop3A_138 : i32
          %parallel_loop3A_140 = arith.constant 0 : i32
          %parallel_loop3A_141 = vector.broadcast %parallel_loop3A_140 : i32 to vector<16xi32>
          %parallel_loop3A_142 = arith.addi %parallel_loop3A_141, %iota3A : vector<16xi32>
          %parallel_loop3A_143 = arith.constant 0 : i32
          %parallel_loop3A_144 = vector.broadcast %parallel_loop3A_143 : i32 to vector<16xi32>
          %parallel_loop3A_145 = arith.muli %iota3A, %parallel_loop3A_144 : vector<16xi32>
          %parallel_loop3A_146 = vector.broadcast %parallel_loop3A_139 : i32 to vector<16xi32>
          %parallel_loop3A_147 = arith.addi %parallel_loop3A_145, %parallel_loop3A_146 : vector<16xi32>
          %parallel_loop3A_148 = tpu.vector_load_idx %arg6[%parallel_loop3A_142, %parallel_loop3A_147] : memref<32x769xf32, #tpu.memory_space<vmem>>[vector<16xi32>, vector<16xi32>], vector<16xf32>,
          %parallel_loop3A_149 = arith.constant 1 : i32
          %parallel_loop3A_150 = arith.index_cast %parallel_loop3A_149 : i32 to index
          %parallel_loop3A_151 = arith.index_cast %parallel_loop3A_135 : i32 to index
          %parallel_loop3A_152 = arith.constant 0 : index
          %parallel_loop3A_153 = tpu.vector_load %arg7[%parallel_loop3A_150, %parallel_loop3A_151, %parallel_loop3A_152] {strides = array<i32>} : memref<2x192x128xf32, #tpu.memory_space<vmem>>, vector<16xf32>,
          tpu.vector_store %arg7[%parallel_loop3A_150, %parallel_loop3A_151, %parallel_loop3A_152], %parallel_loop3A_148 {strides = array<i32>} : memref<2x192x128xf32, #tpu.memory_space<vmem>>, vector<16xf32>,
          %parallel_loop3A_154 = arith.constant 16 : i32
          %parallel_loop3A_155 = vector.broadcast %parallel_loop3A_154 : i32 to vector<16xi32>
          %parallel_loop3A_156 = arith.addi %parallel_loop3A_155, %iota3A : vector<16xi32>
          %parallel_loop3A_157 = arith.constant 0 : i32
          %parallel_loop3A_158 = vector.broadcast %parallel_loop3A_157 : i32 to vector<16xi32>
          %parallel_loop3A_159 = arith.muli %iota3A, %parallel_loop3A_158 : vector<16xi32>
          %parallel_loop3A_160 = vector.broadcast %parallel_loop3A_139 : i32 to vector<16xi32>
          %parallel_loop3A_161 = arith.addi %parallel_loop3A_159, %parallel_loop3A_160 : vector<16xi32>
          %parallel_loop3A_162 = tpu.vector_load_idx %arg6[%parallel_loop3A_156, %parallel_loop3A_161] : memref<32x769xf32, #tpu.memory_space<vmem>>[vector<16xi32>, vector<16xi32>], vector<16xf32>,
          %parallel_loop3A_163 = arith.constant 1 : i32
          %parallel_loop3A_164 = arith.index_cast %parallel_loop3A_163 : i32 to index
          %parallel_loop3A_165 = arith.index_cast %parallel_loop3A_135 : i32 to index
          %parallel_loop3A_166 = arith.constant 16 : index
          %parallel_loop3A_167 = tpu.vector_load %arg7[%parallel_loop3A_164, %parallel_loop3A_165, %parallel_loop3A_166] {strides = array<i32>} : memref<2x192x128xf32, #tpu.memory_space<vmem>>, vector<16xf32>,
          tpu.vector_store %arg7[%parallel_loop3A_164, %parallel_loop3A_165, %parallel_loop3A_166], %parallel_loop3A_162 {strides = array<i32>} : memref<2x192x128xf32, #tpu.memory_space<vmem>>, vector<16xf32>,
          %parallel_loop3A_168 = arith.constant 4 : i32
          %parallel_loop3A_169 = arith.muli %parallel_loop3A_168, %parallel_loop3A_135 : i32
          %parallel_loop3A_170 = arith.constant 1 : i32
          %parallel_loop3A_171 = arith.addi %parallel_loop3A_169, %parallel_loop3A_170 : i32
          %parallel_loop3A_172 = arith.constant 0 : i32
          %parallel_loop3A_173 = vector.broadcast %parallel_loop3A_172 : i32 to vector<16xi32>
          %parallel_loop3A_174 = arith.addi %parallel_loop3A_173, %iota3A : vector<16xi32>
          %parallel_loop3A_175 = arith.constant 0 : i32
          %parallel_loop3A_176 = vector.broadcast %parallel_loop3A_175 : i32 to vector<16xi32>
          %parallel_loop3A_177 = arith.muli %iota3A, %parallel_loop3A_176 : vector<16xi32>
          %parallel_loop3A_178 = vector.broadcast %parallel_loop3A_171 : i32 to vector<16xi32>
          %parallel_loop3A_179 = arith.addi %parallel_loop3A_177, %parallel_loop3A_178 : vector<16xi32>
          %parallel_loop3A_180 = tpu.vector_load_idx %arg6[%parallel_loop3A_174, %parallel_loop3A_179] : memref<32x769xf32, #tpu.memory_space<vmem>>[vector<16xi32>, vector<16xi32>], vector<16xf32>,
          %parallel_loop3A_181 = arith.constant 1 : i32
          %parallel_loop3A_182 = arith.index_cast %parallel_loop3A_181 : i32 to index
          %parallel_loop3A_183 = arith.index_cast %parallel_loop3A_135 : i32 to index
          %parallel_loop3A_184 = arith.constant 32 : index
          %parallel_loop3A_185 = tpu.vector_load %arg7[%parallel_loop3A_182, %parallel_loop3A_183, %parallel_loop3A_184] {strides = array<i32>} : memref<2x192x128xf32, #tpu.memory_space<vmem>>, vector<16xf32>,
          tpu.vector_store %arg7[%parallel_loop3A_182, %parallel_loop3A_183, %parallel_loop3A_184], %parallel_loop3A_180 {strides = array<i32>} : memref<2x192x128xf32, #tpu.memory_space<vmem>>, vector<16xf32>,
          %parallel_loop3A_186 = arith.constant 16 : i32
          %parallel_loop3A_187 = vector.broadcast %parallel_loop3A_186 : i32 to vector<16xi32>
          %parallel_loop3A_188 = arith.addi %parallel_loop3A_187, %iota3A : vector<16xi32>
          %parallel_loop3A_189 = arith.constant 0 : i32
          %parallel_loop3A_190 = vector.broadcast %parallel_loop3A_189 : i32 to vector<16xi32>
          %parallel_loop3A_191 = arith.muli %iota3A, %parallel_loop3A_190 : vector<16xi32>
          %parallel_loop3A_192 = vector.broadcast %parallel_loop3A_171 : i32 to vector<16xi32>
          %parallel_loop3A_193 = arith.addi %parallel_loop3A_191, %parallel_loop3A_192 : vector<16xi32>
          %parallel_loop3A_194 = tpu.vector_load_idx %arg6[%parallel_loop3A_188, %parallel_loop3A_193] : memref<32x769xf32, #tpu.memory_space<vmem>>[vector<16xi32>, vector<16xi32>], vector<16xf32>,
          %parallel_loop3A_195 = arith.constant 1 : i32
          %parallel_loop3A_196 = arith.index_cast %parallel_loop3A_195 : i32 to index
          %parallel_loop3A_197 = arith.index_cast %parallel_loop3A_135 : i32 to index
          %parallel_loop3A_198 = arith.constant 48 : index
          %parallel_loop3A_199 = tpu.vector_load %arg7[%parallel_loop3A_196, %parallel_loop3A_197, %parallel_loop3A_198] {strides = array<i32>} : memref<2x192x128xf32, #tpu.memory_space<vmem>>, vector<16xf32>,
          tpu.vector_store %arg7[%parallel_loop3A_196, %parallel_loop3A_197, %parallel_loop3A_198], %parallel_loop3A_194 {strides = array<i32>} : memref<2x192x128xf32, #tpu.memory_space<vmem>>, vector<16xf32>,
          %parallel_loop3A_200 = arith.constant 4 : i32
          %parallel_loop3A_201 = arith.muli %parallel_loop3A_200, %parallel_loop3A_135 : i32
          %parallel_loop3A_202 = arith.constant 2 : i32
          %parallel_loop3A_203 = arith.addi %parallel_loop3A_201, %parallel_loop3A_202 : i32
          %parallel_loop3A_204 = arith.constant 0 : i32
          %parallel_loop3A_205 = vector.broadcast %parallel_loop3A_204 : i32 to vector<16xi32>
          %parallel_loop3A_206 = arith.addi %parallel_loop3A_205, %iota3A : vector<16xi32>
          %parallel_loop3A_207 = arith.constant 0 : i32
          %parallel_loop3A_208 = vector.broadcast %parallel_loop3A_207 : i32 to vector<16xi32>
          %parallel_loop3A_209 = arith.muli %iota3A, %parallel_loop3A_208 : vector<16xi32>
          %parallel_loop3A_210 = vector.broadcast %parallel_loop3A_203 : i32 to vector<16xi32>
          %parallel_loop3A_211 = arith.addi %parallel_loop3A_209, %parallel_loop3A_210 : vector<16xi32>
          %parallel_loop3A_212 = tpu.vector_load_idx %arg6[%parallel_loop3A_206, %parallel_loop3A_211] : memref<32x769xf32, #tpu.memory_space<vmem>>[vector<16xi32>, vector<16xi32>], vector<16xf32>,
          %parallel_loop3A_213 = arith.constant 1 : i32
          %parallel_loop3A_214 = arith.index_cast %parallel_loop3A_213 : i32 to index
          %parallel_loop3A_215 = arith.index_cast %parallel_loop3A_135 : i32 to index
          %parallel_loop3A_216 = arith.constant 64 : index
          %parallel_loop3A_217 = tpu.vector_load %arg7[%parallel_loop3A_214, %parallel_loop3A_215, %parallel_loop3A_216] {strides = array<i32>} : memref<2x192x128xf32, #tpu.memory_space<vmem>>, vector<16xf32>,
          tpu.vector_store %arg7[%parallel_loop3A_214, %parallel_loop3A_215, %parallel_loop3A_216], %parallel_loop3A_212 {strides = array<i32>} : memref<2x192x128xf32, #tpu.memory_space<vmem>>, vector<16xf32>,
          %parallel_loop3A_218 = arith.constant 16 : i32
          %parallel_loop3A_219 = vector.broadcast %parallel_loop3A_218 : i32 to vector<16xi32>
          %parallel_loop3A_220 = arith.addi %parallel_loop3A_219, %iota3A : vector<16xi32>
          %parallel_loop3A_221 = arith.constant 0 : i32
          %parallel_loop3A_222 = vector.broadcast %parallel_loop3A_221 : i32 to vector<16xi32>
          %parallel_loop3A_223 = arith.muli %iota3A, %parallel_loop3A_222 : vector<16xi32>
          %parallel_loop3A_224 = vector.broadcast %parallel_loop3A_203 : i32 to vector<16xi32>
          %parallel_loop3A_225 = arith.addi %parallel_loop3A_223, %parallel_loop3A_224 : vector<16xi32>
          %parallel_loop3A_226 = tpu.vector_load_idx %arg6[%parallel_loop3A_220, %parallel_loop3A_225] : memref<32x769xf32, #tpu.memory_space<vmem>>[vector<16xi32>, vector<16xi32>], vector<16xf32>,
          %parallel_loop3A_227 = arith.constant 1 : i32
          %parallel_loop3A_228 = arith.index_cast %parallel_loop3A_227 : i32 to index
          %parallel_loop3A_229 = arith.index_cast %parallel_loop3A_135 : i32 to index
          %parallel_loop3A_230 = arith.constant 80 : index
          %parallel_loop3A_231 = tpu.vector_load %arg7[%parallel_loop3A_228, %parallel_loop3A_229, %parallel_loop3A_230] {strides = array<i32>} : memref<2x192x128xf32, #tpu.memory_space<vmem>>, vector<16xf32>,
          tpu.vector_store %arg7[%parallel_loop3A_228, %parallel_loop3A_229, %parallel_loop3A_230], %parallel_loop3A_226 {strides = array<i32>} : memref<2x192x128xf32, #tpu.memory_space<vmem>>, vector<16xf32>,
          %parallel_loop3A_232 = arith.constant 4 : i32
          %parallel_loop3A_233 = arith.muli %parallel_loop3A_232, %parallel_loop3A_135 : i32
          %parallel_loop3A_234 = arith.constant 3 : i32
          %parallel_loop3A_235 = arith.addi %parallel_loop3A_233, %parallel_loop3A_234 : i32
          %parallel_loop3A_236 = arith.constant 0 : i32
          %parallel_loop3A_237 = vector.broadcast %parallel_loop3A_236 : i32 to vector<16xi32>
          %parallel_loop3A_238 = arith.addi %parallel_loop3A_237, %iota3A : vector<16xi32>
          %parallel_loop3A_239 = arith.constant 0 : i32
          %parallel_loop3A_240 = vector.broadcast %parallel_loop3A_239 : i32 to vector<16xi32>
          %parallel_loop3A_241 = arith.muli %iota3A, %parallel_loop3A_240 : vector<16xi32>
          %parallel_loop3A_242 = vector.broadcast %parallel_loop3A_235 : i32 to vector<16xi32>
          %parallel_loop3A_243 = arith.addi %parallel_loop3A_241, %parallel_loop3A_242 : vector<16xi32>
          %parallel_loop3A_244 = tpu.vector_load_idx %arg6[%parallel_loop3A_238, %parallel_loop3A_243] : memref<32x769xf32, #tpu.memory_space<vmem>>[vector<16xi32>, vector<16xi32>], vector<16xf32>,
          %parallel_loop3A_245 = arith.constant 1 : i32
          %parallel_loop3A_246 = arith.index_cast %parallel_loop3A_245 : i32 to index
          %parallel_loop3A_247 = arith.index_cast %parallel_loop3A_135 : i32 to index
          %parallel_loop3A_248 = arith.constant 96 : index
          %parallel_loop3A_249 = tpu.vector_load %arg7[%parallel_loop3A_246, %parallel_loop3A_247, %parallel_loop3A_248] {strides = array<i32>} : memref<2x192x128xf32, #tpu.memory_space<vmem>>, vector<16xf32>,
          tpu.vector_store %arg7[%parallel_loop3A_246, %parallel_loop3A_247, %parallel_loop3A_248], %parallel_loop3A_244 {strides = array<i32>} : memref<2x192x128xf32, #tpu.memory_space<vmem>>, vector<16xf32>,
          %parallel_loop3A_250 = arith.constant 16 : i32
          %parallel_loop3A_251 = vector.broadcast %parallel_loop3A_250 : i32 to vector<16xi32>
          %parallel_loop3A_252 = arith.addi %parallel_loop3A_251, %iota3A : vector<16xi32>
          %parallel_loop3A_253 = arith.constant 0 : i32
          %parallel_loop3A_254 = vector.broadcast %parallel_loop3A_253 : i32 to vector<16xi32>
          %parallel_loop3A_255 = arith.muli %iota3A, %parallel_loop3A_254 : vector<16xi32>
          %parallel_loop3A_256 = vector.broadcast %parallel_loop3A_235 : i32 to vector<16xi32>
          %parallel_loop3A_257 = arith.addi %parallel_loop3A_255, %parallel_loop3A_256 : vector<16xi32>
          %parallel_loop3A_258 = tpu.vector_load_idx %arg6[%parallel_loop3A_252, %parallel_loop3A_257] : memref<32x769xf32, #tpu.memory_space<vmem>>[vector<16xi32>, vector<16xi32>], vector<16xf32>,
          %parallel_loop3A_259 = arith.constant 1 : i32
          %parallel_loop3A_260 = arith.index_cast %parallel_loop3A_259 : i32 to index
          %parallel_loop3A_261 = arith.index_cast %parallel_loop3A_135 : i32 to index
          %parallel_loop3A_262 = arith.constant 112 : index
          %parallel_loop3A_263 = tpu.vector_load %arg7[%parallel_loop3A_260, %parallel_loop3A_261, %parallel_loop3A_262] {strides = array<i32>} : memref<2x192x128xf32, #tpu.memory_space<vmem>>, vector<16xf32>,
          tpu.vector_store %arg7[%parallel_loop3A_260, %parallel_loop3A_261, %parallel_loop3A_262], %parallel_loop3A_258 {strides = array<i32>} : memref<2x192x128xf32, #tpu.memory_space<vmem>>, vector<16xf32>,
        } {sc.loop_unroll_factor = 4 : i64, sc.parallel_access}
        %mul3A_117 = arith.constant 32 : i32
        %mul3A_118 = arith.muli %add3A_85, %mul3A_117 : i32
        %add3A_119 = arith.addi %mul3A_118, %add3A : i32
        %mul3A_120 = arith.constant 192 : i32
        %mul3A_121 = arith.muli %add3A_119, %mul3A_120 : i32
        %dma_start3A_122 = arith.constant 1 : i32
        %dma_start3A_123 = arith.constant 0 : i32
        %dma_start3A_124 = arith.constant 0 : i32
        %dma_start3A_125 = tpu.memref_slice %arg7[%dma_start3A_122, %dma_start3A_123, %dma_start3A_124] : memref<2x192x128xf32, #tpu.memory_space<vmem>> -> memref<1x192x128xf32, #tpu.memory_space<vmem>>
        %dma_start3A_126 = tpu.memref_squeeze %dma_start3A_125 : memref<1x192x128xf32, #tpu.memory_space<vmem>> -> memref<192x128xf32, #tpu.memory_space<vmem>>
        %dma_start3A_127 = arith.constant 0 : i32
        %dma_start3A_128 = tpu.memref_slice %arg4[%mul3A_121, %dma_start3A_127] : memref<250000x128xf32, #tpu.memory_space<hbm>> -> memref<192x128xf32, #tpu.memory_space<hbm>>
        %dma_start3A_129 = arith.constant 0 : i32
        %dma_start3A_130 = tpu.memref_slice %arg4[%mul3A_121, %dma_start3A_129] : memref<250000x128xf32, #tpu.memory_space<hbm>> -> memref<192x128xf32, #tpu.memory_space<hbm>>
        %dma_start3A_131 = arith.constant 0 : i32
        %dma_start3A_132 = arith.constant 0 : i32
        %dma_start3A_133 = tpu.memref_slice %arg7[%dma_start3A_122, %dma_start3A_131, %dma_start3A_132] : memref<2x192x128xf32, #tpu.memory_space<vmem>> -> memref<1x192x128xf32, #tpu.memory_space<vmem>>
        %dma_start3A_134 = tpu.memref_squeeze %dma_start3A_133 : memref<1x192x128xf32, #tpu.memory_space<vmem>> -> memref<192x128xf32, #tpu.memory_space<vmem>>
        tpu.enqueue_dma source(%dma_start3A_134 : memref<192x128xf32, #tpu.memory_space<vmem>>) target(%dma_start3A_130 : memref<192x128xf32, #tpu.memory_space<hbm>>) target_semaphore(%arg9 : memref<!tpu.dma_semaphore, #tpu.memory_space<semaphore_mem>>)
      } else {
      }
    }
    %scan3A_38 = arith.constant 21 : i32
    %add3A_39 = arith.constant 0 : i32
    %add3A_40 = arith.addi %add3A_39, %add3A : i32
    %mul3A_41 = arith.constant 192 : i32
    %mul3A_42 = arith.muli %add3A_40, %mul3A_41 : i32
    %dma_wait3A = arith.constant 0 : i32
    %dma_wait3A_43 = arith.constant 0 : i32
    %dma_wait3A_44 = arith.constant 0 : i32
    %dma_wait3A_45 = tpu.memref_slice %arg7[%dma_wait3A, %dma_wait3A_43, %dma_wait3A_44] : memref<2x192x128xf32, #tpu.memory_space<vmem>> -> memref<1x192x128xf32, #tpu.memory_space<vmem>>
    %dma_wait3A_46 = tpu.memref_squeeze %dma_wait3A_45 : memref<1x192x128xf32, #tpu.memory_space<vmem>> -> memref<192x128xf32, #tpu.memory_space<vmem>>
    %dma_wait3A_47 = arith.constant 0 : i32
    %dma_wait3A_48 = tpu.memref_slice %arg4[%mul3A_42, %dma_wait3A_47] : memref<250000x128xf32, #tpu.memory_space<hbm>> -> memref<192x128xf32, #tpu.memory_space<hbm>>
    %dma_wait3A_49 = arith.constant 0 : i32
    %dma_wait3A_50 = tpu.memref_slice %arg4[%mul3A_42, %dma_wait3A_49] : memref<250000x128xf32, #tpu.memory_space<hbm>> -> memref<192x128xf32, #tpu.memory_space<hbm>>
    %dma_wait3A_51 = arith.constant 0 : i32
    %dma_wait3A_52 = arith.constant 0 : i32
    %dma_wait3A_53 = tpu.memref_slice %arg7[%dma_wait3A, %dma_wait3A_51, %dma_wait3A_52] : memref<2x192x128xf32, #tpu.memory_space<vmem>> -> memref<1x192x128xf32, #tpu.memory_space<vmem>>
    %dma_wait3A_54 = tpu.memref_squeeze %dma_wait3A_53 : memref<1x192x128xf32, #tpu.memory_space<vmem>> -> memref<192x128xf32, #tpu.memory_space<vmem>>
    tpu.wait_dma2 semaphore(%arg9 : memref<!tpu.dma_semaphore, #tpu.memory_space<semaphore_mem>>) src(%dma_wait3A_54 : memref<192x128xf32, #tpu.memory_space<vmem>>) dst(%dma_wait3A_50 : memref<192x128xf32, #tpu.memory_space<hbm>>)
    %add3A_55 = arith.constant 0 : i32
    %add3A_56 = arith.addi %add3A_55, %add3A : i32
    %mul3A_57 = arith.constant 192 : i32
    %mul3A_58 = arith.muli %add3A_56, %mul3A_57 : i32
    %dma_wait3A_59 = arith.constant 1 : i32
    %dma_wait3A_60 = arith.constant 0 : i32
    %dma_wait3A_61 = arith.constant 0 : i32
    %dma_wait3A_62 = tpu.memref_slice %arg7[%dma_wait3A_59, %dma_wait3A_60, %dma_wait3A_61] : memref<2x192x128xf32, #tpu.memory_space<vmem>> -> memref<1x192x128xf32, #tpu.memory_space<vmem>>
    %dma_wait3A_63 = tpu.memref_squeeze %dma_wait3A_62 : memref<1x192x128xf32, #tpu.memory_space<vmem>> -> memref<192x128xf32, #tpu.memory_space<vmem>>
    %dma_wait3A_64 = arith.constant 0 : i32
    %dma_wait3A_65 = tpu.memref_slice %arg4[%mul3A_58, %dma_wait3A_64] : memref<250000x128xf32, #tpu.memory_space<hbm>> -> memref<192x128xf32, #tpu.memory_space<hbm>>
    %dma_wait3A_66 = arith.constant 0 : i32
    %dma_wait3A_67 = tpu.memref_slice %arg4[%mul3A_58, %dma_wait3A_66] : memref<250000x128xf32, #tpu.memory_space<hbm>> -> memref<192x128xf32, #tpu.memory_space<hbm>>
    %dma_wait3A_68 = arith.constant 0 : i32
    %dma_wait3A_69 = arith.constant 0 : i32
    %dma_wait3A_70 = tpu.memref_slice %arg7[%dma_wait3A_59, %dma_wait3A_68, %dma_wait3A_69] : memref<2x192x128xf32, #tpu.memory_space<vmem>> -> memref<1x192x128xf32, #tpu.memory_space<vmem>>
    %dma_wait3A_71 = tpu.memref_squeeze %dma_wait3A_70 : memref<1x192x128xf32, #tpu.memory_space<vmem>> -> memref<192x128xf32, #tpu.memory_space<vmem>>
    tpu.wait_dma2 semaphore(%arg9 : memref<!tpu.dma_semaphore, #tpu.memory_space<semaphore_mem>>) src(%dma_wait3A_71 : memref<192x128xf32, #tpu.memory_space<vmem>>) dst(%dma_wait3A_67 : memref<192x128xf32, #tpu.memory_space<hbm>>)
    %eq3A = arith.constant 17 : i32
    %eq3A_72 = arith.cmpi eq, %add3A, %eq3A : i32
    %convert_element_type3A = arith.extui %eq3A_72 : i1 to i32
    %cond3A = arith.constant 0 : i32
    %cond3A_73 = arith.cmpi ne, %convert_element_type3A, %cond3A : i32
    scf.if %cond3A_73 {
      %run_scoped3A = arith.constant 0 : i32
      "tpu.region"() ({
        %run_scoped3A_75 = tpu.sem_alloc : memref<!tpu.dma_semaphore, #tpu.memory_space<semaphore_mem>>
        %dma_start3A_76 = arith.constant 0 : i32
        %dma_start3A_77 = arith.constant 0 : i32
        %dma_start3A_78 = tpu.memref_slice %arg7[%run_scoped3A, %dma_start3A_76, %dma_start3A_77] : memref<2x192x128xf32, #tpu.memory_space<vmem>> -> memref<1x16x128xf32, #tpu.memory_space<vmem>>
        %dma_start3A_79 = tpu.memref_squeeze %dma_start3A_78 : memref<1x16x128xf32, #tpu.memory_space<vmem>> -> memref<16x128xf32, #tpu.memory_space<vmem>>
        %dma_start3A_80 = arith.constant 0 : i32
        %dma_start3A_81 = arith.constant 0 : i32
        %dma_start3A_82 = tpu.memref_slice %arg7[%run_scoped3A, %dma_start3A_80, %dma_start3A_81] : memref<2x192x128xf32, #tpu.memory_space<vmem>> -> memref<1x16x128xf32, #tpu.memory_space<vmem>>
        %dma_start3A_83 = tpu.memref_squeeze %dma_start3A_82 : memref<1x16x128xf32, #tpu.memory_space<vmem>> -> memref<16x128xf32, #tpu.memory_space<vmem>>
        tpu.enqueue_dma source(%arg3 : memref<16x128xf32, #tpu.memory_space<hbm>>) target(%dma_start3A_83 : memref<16x128xf32, #tpu.memory_space<vmem>>) target_semaphore(%run_scoped3A_75 : memref<!tpu.dma_semaphore, #tpu.memory_space<semaphore_mem>>)
        %dma_wait3A_84 = arith.constant 0 : i32
        %dma_wait3A_85 = arith.constant 0 : i32
        %dma_wait3A_86 = tpu.memref_slice %arg7[%run_scoped3A, %dma_wait3A_84, %dma_wait3A_85] : memref<2x192x128xf32, #tpu.memory_space<vmem>> -> memref<1x16x128xf32, #tpu.memory_space<vmem>>
        %dma_wait3A_87 = tpu.memref_squeeze %dma_wait3A_86 : memref<1x16x128xf32, #tpu.memory_space<vmem>> -> memref<16x128xf32, #tpu.memory_space<vmem>>
        %dma_wait3A_88 = arith.constant 0 : i32
        %dma_wait3A_89 = arith.constant 0 : i32
        %dma_wait3A_90 = tpu.memref_slice %arg7[%run_scoped3A, %dma_wait3A_88, %dma_wait3A_89] : memref<2x192x128xf32, #tpu.memory_space<vmem>> -> memref<1x16x128xf32, #tpu.memory_space<vmem>>
        %dma_wait3A_91 = tpu.memref_squeeze %dma_wait3A_90 : memref<1x16x128xf32, #tpu.memory_space<vmem>> -> memref<16x128xf32, #tpu.memory_space<vmem>>
        tpu.wait_dma2 semaphore(%run_scoped3A_75 : memref<!tpu.dma_semaphore, #tpu.memory_space<semaphore_mem>>) src(%arg3 : memref<16x128xf32, #tpu.memory_space<hbm>>) dst(%dma_wait3A_91 : memref<16x128xf32, #tpu.memory_space<vmem>>)
        tpu.yield
      }) : () -> ()
      %run_scoped3A_74 = arith.constant 0 : i32
      "tpu.region"() ({
        %run_scoped3A_75 = tpu.sem_alloc : memref<!tpu.dma_semaphore, #tpu.memory_space<semaphore_mem>>
        %dma_start3A_76 = arith.constant 0 : i32
        %dma_start3A_77 = arith.constant 0 : i32
        %dma_start3A_78 = tpu.memref_slice %arg7[%run_scoped3A_74, %dma_start3A_76, %dma_start3A_77] : memref<2x192x128xf32, #tpu.memory_space<vmem>> -> memref<1x16x128xf32, #tpu.memory_space<vmem>>
        %dma_start3A_79 = tpu.memref_squeeze %dma_start3A_78 : memref<1x16x128xf32, #tpu.memory_space<vmem>> -> memref<16x128xf32, #tpu.memory_space<vmem>>
        %dma_start3A_80 = arith.constant 249984 : i32
        %dma_start3A_81 = arith.constant 0 : i32
        %dma_start3A_82 = tpu.memref_slice %arg4[%dma_start3A_80, %dma_start3A_81] : memref<250000x128xf32, #tpu.memory_space<hbm>> -> memref<16x128xf32, #tpu.memory_space<hbm>>
        %dma_start3A_83 = arith.constant 249984 : i32
        %dma_start3A_84 = arith.constant 0 : i32
        %dma_start3A_85 = tpu.memref_slice %arg4[%dma_start3A_83, %dma_start3A_84] : memref<250000x128xf32, #tpu.memory_space<hbm>> -> memref<16x128xf32, #tpu.memory_space<hbm>>
        %dma_start3A_86 = arith.constant 0 : i32
        %dma_start3A_87 = arith.constant 0 : i32
        %dma_start3A_88 = tpu.memref_slice %arg7[%run_scoped3A_74, %dma_start3A_86, %dma_start3A_87] : memref<2x192x128xf32, #tpu.memory_space<vmem>> -> memref<1x16x128xf32, #tpu.memory_space<vmem>>
        %dma_start3A_89 = tpu.memref_squeeze %dma_start3A_88 : memref<1x16x128xf32, #tpu.memory_space<vmem>> -> memref<16x128xf32, #tpu.memory_space<vmem>>
        tpu.enqueue_dma source(%dma_start3A_89 : memref<16x128xf32, #tpu.memory_space<vmem>>) target(%dma_start3A_85 : memref<16x128xf32, #tpu.memory_space<hbm>>) target_semaphore(%run_scoped3A_75 : memref<!tpu.dma_semaphore, #tpu.memory_space<semaphore_mem>>)
        %dma_wait3A_90 = arith.constant 0 : i32
        %dma_wait3A_91 = arith.constant 0 : i32
        %dma_wait3A_92 = tpu.memref_slice %arg7[%run_scoped3A_74, %dma_wait3A_90, %dma_wait3A_91] : memref<2x192x128xf32, #tpu.memory_space<vmem>> -> memref<1x16x128xf32, #tpu.memory_space<vmem>>
        %dma_wait3A_93 = tpu.memref_squeeze %dma_wait3A_92 : memref<1x16x128xf32, #tpu.memory_space<vmem>> -> memref<16x128xf32, #tpu.memory_space<vmem>>
        %dma_wait3A_94 = arith.constant 249984 : i32
        %dma_wait3A_95 = arith.constant 0 : i32
        %dma_wait3A_96 = tpu.memref_slice %arg4[%dma_wait3A_94, %dma_wait3A_95] : memref<250000x128xf32, #tpu.memory_space<hbm>> -> memref<16x128xf32, #tpu.memory_space<hbm>>
        %dma_wait3A_97 = arith.constant 249984 : i32
        %dma_wait3A_98 = arith.constant 0 : i32
        %dma_wait3A_99 = tpu.memref_slice %arg4[%dma_wait3A_97, %dma_wait3A_98] : memref<250000x128xf32, #tpu.memory_space<hbm>> -> memref<16x128xf32, #tpu.memory_space<hbm>>
        %dma_wait3A_100 = arith.constant 0 : i32
        %dma_wait3A_101 = arith.constant 0 : i32
        %dma_wait3A_102 = tpu.memref_slice %arg7[%run_scoped3A_74, %dma_wait3A_100, %dma_wait3A_101] : memref<2x192x128xf32, #tpu.memory_space<vmem>> -> memref<1x16x128xf32, #tpu.memory_space<vmem>>
        %dma_wait3A_103 = tpu.memref_squeeze %dma_wait3A_102 : memref<1x16x128xf32, #tpu.memory_space<vmem>> -> memref<16x128xf32, #tpu.memory_space<vmem>>
        tpu.wait_dma2 semaphore(%run_scoped3A_75 : memref<!tpu.dma_semaphore, #tpu.memory_space<semaphore_mem>>) src(%dma_wait3A_103 : memref<16x128xf32, #tpu.memory_space<vmem>>) dst(%dma_wait3A_99 : memref<16x128xf32, #tpu.memory_space<hbm>>)
        tpu.yield
      }) : () -> ()
    } else {
    }
    return
  }
}

module attributes {stable_mosaic.version = 14 : i64} {
  func.func @_mlp_body(%arg0: i32, %arg1: memref<20480x128xf32, #tpu.memory_space<vmem>>, %arg2: memref<640x32xf32, #tpu.memory_space<vmem>>, %arg3: memref<1x32xf32, #tpu.memory_space<vmem>>, %arg4: memref<32x1xf32, #tpu.memory_space<vmem>>, %arg5: memref<1x1xf32, #tpu.memory_space<vmem>>, %arg6: memref<4096x1xf32, #tpu.memory_space<vmem>>, %arg7: memref<4096x32xf32, #tpu.memory_space<vmem>>) attributes {dimension_semantics = [#tpu.dimension_semantics<arbitrary>], iteration_bounds = array<i64: 10>, scalar_prefetch = 0 : i64, scratch_operands = 1 : i64, tpu.core_type = #tpu.core_type<tc>, window_params = [{transform_indices = @transform_0, window_bounds = array<i64: 20480, 128>}, {transform_indices = @transform_1, window_bounds = array<i64: 640, 32>}, {pipeline_mode = #tpu.pipeline_mode<synchronous>, transform_indices = @transform_2, window_bounds = array<i64: 1, 32>}, {pipeline_mode = #tpu.pipeline_mode<synchronous>, transform_indices = @transform_3, window_bounds = array<i64: 32, 1>}, {pipeline_mode = #tpu.pipeline_mode<synchronous>, transform_indices = @transform_4, window_bounds = array<i64: 1, 1>}, {pipeline_mode = #tpu.pipeline_mode<synchronous>, transform_indices = @transform_5, window_bounds = array<i64: 4096, 1>}]} {
    %eq3A = arith.constant 0 : i32
    %eq3A_0 = arith.cmpi eq, %arg0, %eq3A : i32
    %convert_element_type3A = arith.extui %eq3A_0 : i1 to i32
    %cond3A = arith.constant 0 : i32
    %cond3A_1 = arith.cmpi ne, %convert_element_type3A, %cond3A : i32
    scf.if %cond3A_1 {
      %broadcast_in_dim3A = arith.constant 0.000000e+00 : f32
      %broadcast_in_dim3A_54 = vector.broadcast %broadcast_in_dim3A : f32 to vector<4096x32xf32>
      %swap3A_55 = arith.constant 0 : index
      %swap3A_56 = arith.constant 0 : index
      %swap3A_57 = vector.load %arg7[%swap3A_55, %swap3A_56] : memref<4096x32xf32, #tpu.memory_space<vmem>>, vector<4096x32xf32>
      tpu.vector_store %arg7[%swap3A_55, %swap3A_56], %broadcast_in_dim3A_54 {strides = array<i32>} : memref<4096x32xf32, #tpu.memory_space<vmem>>, vector<4096x32xf32>,
    } else {
    }
    %get3A = arith.constant 0 : index
    %get3A_2 = arith.constant 0 : index
    %get3A_3 = vector.load %arg7[%get3A, %get3A_2] : memref<4096x32xf32, #tpu.memory_space<vmem>>, vector<4096x32xf32>
    %get3A_4 = arith.constant 0 : index
    %get3A_5 = arith.constant 0 : index
    %get3A_6 = vector.load %arg1[%get3A_4, %get3A_5] : memref<20480x128xf32, #tpu.memory_space<vmem>>, vector<4096x128xf32>
    %get3A_7 = arith.constant 0 : index
    %get3A_8 = arith.constant 0 : index
    %get3A_9 = vector.load %arg2[%get3A_7, %get3A_8] : memref<640x32xf32, #tpu.memory_space<vmem>>, vector<128x32xf32>
    %dot_general3A = arith.constant dense<0.000000e+00> : vector<4096x32xf32>
    %dot_general3A_10 = tpu.matmul %get3A_6, %get3A_9, %dot_general3A {dimension_numbers = #tpu.dot_dimension_numbers<[1], [0], [0], [1], [0, 0, 1, 1], [], []>, transpose_lhs_hint = false} : vector<4096x128xf32>, vector<128x32xf32>, vector<4096x32xf32> -> vector<4096x32xf32>
    %add3A = arith.addf %get3A_3, %dot_general3A_10 : vector<4096x32xf32>
    %get3A_11 = arith.constant 4096 : index
    %get3A_12 = arith.constant 0 : index
    %get3A_13 = vector.load %arg1[%get3A_11, %get3A_12] : memref<20480x128xf32, #tpu.memory_space<vmem>>, vector<4096x128xf32>
    %get3A_14 = arith.constant 128 : index
    %get3A_15 = arith.constant 0 : index
    %get3A_16 = vector.load %arg2[%get3A_14, %get3A_15] : memref<640x32xf32, #tpu.memory_space<vmem>>, vector<128x32xf32>
    %dot_general3A_17 = arith.constant dense<0.000000e+00> : vector<4096x32xf32>
    %dot_general3A_18 = tpu.matmul %get3A_13, %get3A_16, %dot_general3A_17 {dimension_numbers = #tpu.dot_dimension_numbers<[1], [0], [0], [1], [0, 0, 1, 1], [], []>, transpose_lhs_hint = false} : vector<4096x128xf32>, vector<128x32xf32>, vector<4096x32xf32> -> vector<4096x32xf32>
    %add3A_19 = arith.addf %add3A, %dot_general3A_18 : vector<4096x32xf32>
    %get3A_20 = arith.constant 8192 : index
    %get3A_21 = arith.constant 0 : index
    %get3A_22 = vector.load %arg1[%get3A_20, %get3A_21] : memref<20480x128xf32, #tpu.memory_space<vmem>>, vector<4096x128xf32>
    %get3A_23 = arith.constant 256 : index
    %get3A_24 = arith.constant 0 : index
    %get3A_25 = vector.load %arg2[%get3A_23, %get3A_24] : memref<640x32xf32, #tpu.memory_space<vmem>>, vector<128x32xf32>
    %dot_general3A_26 = arith.constant dense<0.000000e+00> : vector<4096x32xf32>
    %dot_general3A_27 = tpu.matmul %get3A_22, %get3A_25, %dot_general3A_26 {dimension_numbers = #tpu.dot_dimension_numbers<[1], [0], [0], [1], [0, 0, 1, 1], [], []>, transpose_lhs_hint = false} : vector<4096x128xf32>, vector<128x32xf32>, vector<4096x32xf32> -> vector<4096x32xf32>
    %add3A_28 = arith.addf %add3A_19, %dot_general3A_27 : vector<4096x32xf32>
    %get3A_29 = arith.constant 12288 : index
    %get3A_30 = arith.constant 0 : index
    %get3A_31 = vector.load %arg1[%get3A_29, %get3A_30] : memref<20480x128xf32, #tpu.memory_space<vmem>>, vector<4096x128xf32>
    %get3A_32 = arith.constant 384 : index
    %get3A_33 = arith.constant 0 : index
    %get3A_34 = vector.load %arg2[%get3A_32, %get3A_33] : memref<640x32xf32, #tpu.memory_space<vmem>>, vector<128x32xf32>
    %dot_general3A_35 = arith.constant dense<0.000000e+00> : vector<4096x32xf32>
    %dot_general3A_36 = tpu.matmul %get3A_31, %get3A_34, %dot_general3A_35 {dimension_numbers = #tpu.dot_dimension_numbers<[1], [0], [0], [1], [0, 0, 1, 1], [], []>, transpose_lhs_hint = false} : vector<4096x128xf32>, vector<128x32xf32>, vector<4096x32xf32> -> vector<4096x32xf32>
    %add3A_37 = arith.addf %add3A_28, %dot_general3A_36 : vector<4096x32xf32>
    %get3A_38 = arith.constant 16384 : index
    %get3A_39 = arith.constant 0 : index
    %get3A_40 = vector.load %arg1[%get3A_38, %get3A_39] : memref<20480x128xf32, #tpu.memory_space<vmem>>, vector<4096x128xf32>
    %get3A_41 = arith.constant 512 : index
    %get3A_42 = arith.constant 0 : index
    %get3A_43 = vector.load %arg2[%get3A_41, %get3A_42] : memref<640x32xf32, #tpu.memory_space<vmem>>, vector<128x32xf32>
    %dot_general3A_44 = arith.constant dense<0.000000e+00> : vector<4096x32xf32>
    %dot_general3A_45 = tpu.matmul %get3A_40, %get3A_43, %dot_general3A_44 {dimension_numbers = #tpu.dot_dimension_numbers<[1], [0], [0], [1], [0, 0, 1, 1], [], []>, transpose_lhs_hint = false} : vector<4096x128xf32>, vector<128x32xf32>, vector<4096x32xf32> -> vector<4096x32xf32>
    %add3A_46 = arith.addf %add3A_37, %dot_general3A_45 : vector<4096x32xf32>
    %swap3A = arith.constant 0 : index
    %swap3A_47 = arith.constant 0 : index
    %swap3A_48 = vector.load %arg7[%swap3A, %swap3A_47] : memref<4096x32xf32, #tpu.memory_space<vmem>>, vector<4096x32xf32>
    tpu.vector_store %arg7[%swap3A, %swap3A_47], %add3A_46 {strides = array<i32>} : memref<4096x32xf32, #tpu.memory_space<vmem>>, vector<4096x32xf32>,
    %eq3A_49 = arith.constant 9 : i32
    %eq3A_50 = arith.cmpi eq, %arg0, %eq3A_49 : i32
    %convert_element_type3A_51 = arith.extui %eq3A_50 : i1 to i32
    %cond3A_52 = arith.constant 0 : i32
    %cond3A_53 = arith.cmpi ne, %convert_element_type3A_51, %cond3A_52 : i32
    scf.if %cond3A_53 {
      %get3A_54 = arith.constant 0 : index
      %get3A_55 = arith.constant 0 : index
      %get3A_56 = vector.load %arg3[%get3A_54, %get3A_55] : memref<1x32xf32, #tpu.memory_space<vmem>>, vector<1x32xf32>
      %add3A_57 = vector.broadcast %get3A_56 : vector<1x32xf32> to vector<4096x32xf32>
      %add3A_58 = arith.addf %add3A_46, %add3A_57 : vector<4096x32xf32>
      %max3A = arith.constant 0.000000e+00 : f32
      %max3A_59 = vector.broadcast %max3A : f32 to vector<4096x32xf32>
      %max3A_60 = arith.maximumf %add3A_58, %max3A_59 : vector<4096x32xf32>
      %get3A_61 = arith.constant 0 : index
      %get3A_62 = arith.constant 0 : index
      %get3A_63 = vector.load %arg4[%get3A_61, %get3A_62] : memref<32x1xf32, #tpu.memory_space<vmem>>, vector<32x1xf32>
      %dot_general3A_64 = arith.constant dense<0.000000e+00> : vector<4096x1xf32>
      %dot_general3A_65 = tpu.matmul %max3A_60, %get3A_63, %dot_general3A_64 {dimension_numbers = #tpu.dot_dimension_numbers<[1], [0], [0], [1], [0, 0, 1, 1], [], []>, transpose_lhs_hint = false} : vector<4096x32xf32>, vector<32x1xf32>, vector<4096x1xf32> -> vector<4096x1xf32>
      %get3A_66 = arith.constant 0 : index
      %get3A_67 = arith.constant 0 : index
      %get3A_68 = vector.load %arg5[%get3A_66, %get3A_67] : memref<1x1xf32, #tpu.memory_space<vmem>>, vector<1x1xf32>
      %add3A_69 = vector.broadcast %get3A_68 : vector<1x1xf32> to vector<4096x1xf32>
      %add3A_70 = arith.addf %dot_general3A_65, %add3A_69 : vector<4096x1xf32>
      %logistic3A = arith.negf %add3A_70 : vector<4096x1xf32>
      %logistic3A_71 = math.exp %logistic3A : vector<4096x1xf32>
      %logistic3A_72 = arith.constant 1.000000e+00 : f32
      %logistic3A_73 = vector.broadcast %logistic3A_72 : f32 to vector<4096x1xf32>
      %logistic3A_74 = arith.addf %logistic3A_73, %logistic3A_71 : vector<4096x1xf32>
      %logistic3A_75 = arith.divf %logistic3A_73, %logistic3A_74 : vector<4096x1xf32>
      %swap3A_76 = arith.constant 0 : index
      %swap3A_77 = arith.constant 0 : index
      %swap3A_78 = vector.load %arg6[%swap3A_76, %swap3A_77] : memref<4096x1xf32, #tpu.memory_space<vmem>>, vector<4096x1xf32>
      tpu.vector_store %arg6[%swap3A_76, %swap3A_77], %logistic3A_75 {strides = array<i32>} : memref<4096x1xf32, #tpu.memory_space<vmem>>, vector<4096x1xf32>,
    } else {
    }
    return
  }
  func.func @transform_0(%arg0: i32) -> (i32, i32) {
    %c0_i32 = arith.constant 0 : i32
    %c0_i32_0 = arith.constant 0 : i32
    return %arg0, %c0_i32 : i32, i32
  }
  func.func @transform_1(%arg0: i32) -> (i32, i32) {
    %c0_i32 = arith.constant 0 : i32
    %c0_i32_0 = arith.constant 0 : i32
    return %arg0, %c0_i32 : i32, i32
  }
  func.func @transform_2(%arg0: i32) -> (i32, i32) {
    %c0_i32 = arith.constant 0 : i32
    %c0_i32_0 = arith.constant 0 : i32
    %c0_i32_1 = arith.constant 0 : i32
    return %c0_i32, %c0_i32_0 : i32, i32
  }
  func.func @transform_3(%arg0: i32) -> (i32, i32) {
    %c0_i32 = arith.constant 0 : i32
    %c0_i32_0 = arith.constant 0 : i32
    %c0_i32_1 = arith.constant 0 : i32
    return %c0_i32, %c0_i32_0 : i32, i32
  }
  func.func @transform_4(%arg0: i32) -> (i32, i32) {
    %c0_i32 = arith.constant 0 : i32
    %c0_i32_0 = arith.constant 0 : i32
    %c0_i32_1 = arith.constant 0 : i32
    return %c0_i32, %c0_i32_0 : i32, i32
  }
  func.func @transform_5(%arg0: i32) -> (i32, i32) {
    %c0_i32 = arith.constant 0 : i32
    %c0_i32_0 = arith.constant 0 : i32
    %c0_i32_1 = arith.constant 0 : i32
    return %c0_i32, %c0_i32_0 : i32, i32
  }
}

</mosaic_0001>

<sc_bundles>
// kernel: kernel.5.cloned.1.call-start
scs
__scs_entry_jumppad:
0x0: {  	(pc) =	sbr.rel $0x88, $3  }
0x1: {  	(tag) =	ssettag $0x0;
	lr =	simm.s32 $0x1  }
0x2: {  	[smem:$0x3F9B] =	sst lr;
	_ =	strace $0xD0000000  }
0x3: {  	_ = 	snop  }
0x4: {  	_ = 	snop  }
0x5: {  	_ = 	snop  }
0x6: {  	_ = 	snop  }
0x7: {  	_ = 	snop  }
__scs_overlays_trampoline_lowered:
0x8: {  	[smem:$0x3FAA] =	sst s0  }
0x9: {  	[smem:$0x3FAB] =	sst s1  }
0xa: {  	[smem:$0x3FAC] =	sst s2  }
0xb: {  	[smem:$0x3FAD] =	sst s3  }
0xc: {  	[smem:$0x3FAE] =	sst s4  }
0xd: {  	[smem:$0x3FAF] =	sst s5  }
0xe: {  	[smem:$0x3FB0] =	sst s6  }
0xf: {  	[smem:$0x3FB1] =	sst s7  }
0x10: {  	[smem:$0x3FB2] =	sst s8  }
0x11: {  	[smem:$0x3FB3] =	sst s9;
	s0 =	simm.s32 @!p0 $0x0  }
0x12: {  	s1 =	sld [smem:$0x3F99];
	s0 =	simm.s32 @p0 $0x1  }
0x13: {  	[smem:$0x3FB4] =	sst s0;
	s0 =	simm.s32 @!p1 $0x0  }
0x14: {  	s2 =	sld [smem:$0x3F98];
	s0 =	simm.s32 @p1 $0x1  }
0x15: {  	[smem:$0x3FB5] =	sst s0;
	s0 =	simm.s32 @!p2 $0x0  }
0x16: {  	s3 =	sld [smem:$0x3FDB];
	s0 =	simm.s32 @p2 $0x1  }
0x17: {  	s4 =	simm.s32 $0x1BF5;
	[smem:$0x3FB7] =	sst s0  }
0x18: {  	s0 =	sld [smem:$0x3F9A];
	_ =	swait.ge [sflag:s4], $0x0  }
0x19: {  	s7 =	sld [smem:$0x3F9B]  }
0x1a: {  	s8 =	sadd.s32 $0xFFFFE003, lr  }
0x1b: {  	s9 =	sadd.s32 $0xFFFFFEF7, lr;
	s5 =	simm.s32 $0xFFFFFFFF;
	p2 =	slt.u32 s8, $0xFFFFF086  }
0x1c: {  	p1 =	slt.u32 s9, $0xF7A;
	s5 =	simm.s32 @!p2 $0x0  }
0x1d: {  	s5 =	simm.s32 @p1 $0x1;
	p0 =	seq.s32 s7, s2  }
0x1e: {  	s7 =	smul.u32 @!p0 $0xF7A, s2;
	p2 =	seq.s32 @!p0 s5, $0x0  }
0x1f: {  	s9 =	smul.u32 $0xF7A, s1;
	s8 =	simm.s32 @!p0 $0x1BF5;
	p2 =	por !p2, p0  }
0x20: {  	[sflag:s8] =	ssyncset.s32 @!p0 $0xFFFFF086;
	s6 =	sadd.s32 @!p0 s3, s7;
	s7 =	simm.s32 @!p0 $0x108  }
0x21: {  	s3 =	sadd.s32 s3, s9;
	s6 =	sadd.s32 @!p0 $0x88, s6;
	s7 =	simm.s32 @p2 $0x1082  }
0x22: {  	[simem:s7], [sflag:s8] =	dma.local @!p0 [hbm:s6], $0xF7A  }
0x23: {  	s9 =	sor.u32 $0xD0000000, s2;
	s6 =	simm.s32 $0x108;
	_ =	swait.ge @!p0 [sflag:s8], $0x0  }
0x24: {  	s3 =	sadd.s32 $0x88, s3;
	s6 =	simm.s32 @!p1 $0x1082;
	[sflag:s4] =	ssyncset.s32 $0xFFFFF086  }
0x25: {  	[simem:s6], [sflag:s4] =	dma.local [hbm:s3], $0xF7A  }
0x26: {  	[smem:$0x3F9B] =	sst s1;
	(tag) =	ssettag s2;
	_ =	strace s9  }
0x27: {  	s1 =	sld [smem:$0x3FAB]  }
0x28: {  	s2 =	sld [smem:$0x3FAC]  }
0x29: {  	s4 =	sld [smem:$0x3FAE]  }
0x2a: {  	p0 =	seq.s32 s5, $0x0;
	s5 =	sld [smem:$0x3FAF]  }
0x2b: {  	s6 =	sld [smem:$0x3FB0]  }
0x2c: {  	s7 =	sld [smem:$0x3FB1]  }
0x2d: {  	s3 =	simm.s32 $0x108;
	s8 =	sld [smem:$0x3FB2]  }
0x2e: {  	s3 =	simm.s32 @!p0 $0x1082;
	s9 =	sld [smem:$0x3FB3]  }
0x2f: {  	lr =	sadd.s32 s0, s3;
	s0 =	sld [smem:$0x3FAA]  }
0x30: {  	s3 =	sld [smem:$0x3FAD]  }
0x31: {  	[smem:$0x3FB6] =	sst s10  }
0x32: {  	s10 =	sld [smem:$0x3FB4];
	_ =	sdelay $0x3  }
0x33: {  	p0 =	seq.s32 s10, $0x1;
	s10 =	sld [smem:$0x3FB6];
	_ =	sdelay $0x3  }
0x34: {  	[smem:$0x3FB6] =	sst s10  }
0x35: {  	s10 =	sld [smem:$0x3FB5];
	_ =	sdelay $0x3  }
0x36: {  	p1 =	seq.s32 s10, $0x1;
	s10 =	sld [smem:$0x3FB6];
	_ =	sdelay $0x3  }
0x37: {  	[smem:$0x3FB6] =	sst s10  }
0x38: {  	s10 =	sld [smem:$0x3FB7]  }
0x39: {  	_ = 	snop;
	(pc) =	sbr.ind lr, $3  }
0x3a: {  	_ = 	snop  }
0x3b: {  	_ = 	snop  }
0x3c: {  	p2 =	seq.s32 s10, $0x1;
	s10 =	sld [smem:$0x3FB6]  }
0x3d: {  	_ =	shalt  }
0x3e: {  	_ =	shalt  }
0x3f: {  	_ =	shalt  }
0x40: {  	_ =	shalt  }
0x41: {  	_ =	shalt  }
0x42: {  	_ =	shalt  }
0x43: {  	_ =	shalt  }
0x44: {  	_ =	shalt  }
0x45: {  	_ =	shalt  }
0x46: {  	_ =	shalt  }
0x47: {  	_ =	shalt  }
0x48: {  	_ =	shalt  }
0x49: {  	_ =	shalt  }
0x4a: {  	_ =	shalt  }
0x4b: {  	_ =	shalt  }
0x4c: {  	_ =	shalt  }
0x4d: {  	_ =	shalt  }
0x4e: {  	_ =	shalt  }
0x4f: {  	_ =	shalt  }
0x50: {  	_ =	shalt  }
0x51: {  	_ =	shalt  }
0x52: {  	_ =	shalt  }
0x53: {  	_ =	shalt  }
0x54: {  	_ =	shalt  }
0x55: {  	_ =	shalt  }
0x56: {  	_ =	shalt  }
0x57: {  	_ =	shalt  }
0x58: {  	_ =	shalt  }
0x59: {  	_ =	shalt  }
0x5a: {  	_ =	shalt  }
0x5b: {  	_ =	shalt  }
0x5c: {  	_ =	shalt  }
0x5d: {  	_ =	shalt  }
0x5e: {  	_ =	shalt  }
0x5f: {  	_ =	shalt  }
0x60: {  	_ =	shalt  }
0x61: {  	_ =	shalt  }
0x62: {  	_ =	shalt  }
0x63: {  	_ =	shalt  }
0x64: {  	_ =	shalt  }
0x65: {  	_ =	shalt  }
0x66: {  	_ =	shalt  }
0x67: {  	_ =	shalt  }
0x68: {  	_ =	shalt  }
0x69: {  	_ =	shalt  }
0x6a: {  	_ =	shalt  }
0x6b: {  	_ =	shalt  }
0x6c: {  	_ =	shalt  }
0x6d: {  	_ =	shalt  }
0x6e: {  	_ =	shalt  }
0x6f: {  	_ =	shalt  }
0x70: {  	_ =	shalt  }
0x71: {  	_ =	shalt  }
0x72: {  	_ =	shalt  }
0x73: {  	_ =	shalt  }
0x74: {  	_ =	shalt  }
0x75: {  	_ =	shalt  }
0x76: {  	_ =	shalt  }
0x77: {  	_ =	shalt  }
0x78: {  	_ =	shalt  }
0x79: {  	_ =	shalt  }
0x7a: {  	_ =	shalt  }
0x7b: {  	_ =	shalt  }
0x7c: {  	_ =	shalt  }
0x7d: {  	_ =	shalt  }
0x7e: {  	_ =	shalt  }
0x7f: {  	_ =	shalt  }
0x80: {  	_ =	shalt  }
0x81: {  	_ =	shalt  }
0x82: {  	_ =	shalt  }
0x83: {  	_ =	shalt  }
0x84: {  	_ =	shalt  }
0x85: {  	_ =	shalt  }
0x86: {  	_ =	shalt  }
0x87: {  	_ =	shalt  }
.Lfunc_end0:
.L_simem_size_0:
called_computation_lowered:
.L_overlay_start_0:
0x88: {  	s2 =	sld [smem:$0x3FD9]  }
0x89: {  	s3 =	sld [smem:$0x3FFE];
	_ =	sdelay $0x1  }
0x8a: {  	s1 =	srdreg.scid  }
0x8b: {  	s0 =	sand.u32 $0x1, s1  }
0x8c: {  	s17 =	sshll.u32 s0, $0xA;
	s2 =	sadd.s32 s3, s2  }
0x8d: {  	s2 =	sadd.s32 s2, s17  }
0x8e: {  	[smem:$0x3FC2] =	sst s2  }
0x8f: {  	_ = 	snop  }
0x90: {  	s2 =	sld [smem:$0x3FC8]  }
0x91: {  	s18 =	sld [smem:$0x3FD0];
	(tm) =	ssettm $0x1  }
0x92: {  	s4 =	sld [smem:$0x3FFB];
	_ =	sdelay $0x3  }
0x93: {  	_ =	strace s4  }
0x94: {  	s4 =	sld [smem:$0x3FFC];
	_ =	sdelay $0x3  }
0x95: {  	_ =	strace s4  }
0x96: {  	s4 =	sld [smem:$0x3FFD];
	_ =	sdelay $0x3  }
0x97: {  	_ =	strace s4  }
0x98: {  	_ =	strace $0x8FFFFFFF  }
0x99: {  	s19 =	sld [smem:$0x3FDB];
	_ =	sdelay $0x1  }
0x9a: {  	s5 =	simm.s32 $_scs_section_size  }
0x9b: {  	s6 =	simm.s32 $_size__tile_overlayer_lowered;
	s7 =	simm.s32 $_tile_overlayer_lowered  }
0x9c: {  	s22 =	simm.s32 $0x1BFF;
	s21 =	sshll.u32 s7, $0x1;
	s4 =	sadd.s32 s5, s19  }
0x9d: {  	s8 =	simm.s32 $0x0;
	s20 =	sshll.u32 s6, $0x1;
	s6 =	sadd.s32 s21, s4  }
0x9e: {  	[timem:s8], [sflag:s22] =	dma.local [hbm:s6], s20  }
0x9f: {  	_ =	swait.ge [sflag:s22], s20  }
0xa0: {  	s5 =	ssub.s32 $0x0, s20;
	[sflag:s22] =	ssyncset.done $0x0  }
0xa1: {  	[sflag:s22] =	ssyncadd.s32 s5;
	_ =	sdelay $0x1  }
0xa2: {  	s23 =	simm.s32 $0x1B8B  }
0xa3: {  	_ =	swait.ge [sflag:s23], $0x1  }
0xa4: {  	[sflag:s23] =	ssyncset.done $0x0  }
0xa5: {  	s25 =	simm.s32 $0x1B8E;
	s24 =	sld [smem:$0x3FFE];
	[sflag:s23] =	ssyncadd.s32 $0xFFFFFFFF  }
0xa6: {  	s26 =	simm.s32 $execute0_lowered;
	[smem:$0x3FD2] =	sst s25  }
0xa7: {  	s6 =	sshll.u32 s26, $0x1;
	_ =	strace $0x80000046;
	[dreg:$0x1] =	wrdreg $0xFFFFFFFF  }
0xa8: {  	s28 =	simm.s32 $_size_execute0_lowered;
	s4 =	sadd.s32 s4, s6;
	[dreg:$0x0] =	wrdreg $0x0  }
0xa9: {  	s6 =	sshll.u32 s28, $0x1;
	[dreg:$0x2] =	wrdreg s4  }
0xaa: {  	[dreg:$0x3] =	wrdreg s6  }
0xab: {  	[dreg:$0x4] =	wrdreg $0xC0  }
0xac: {  	_ =	task [dreg:s8], $0x5FFFF  }
0xad: {  	[dreg:$0x1] =	wrdreg $0xFFFFFFFF  }
0xae: {  	[dreg:$0x0] =	wrdreg $0x60  }
0xaf: {  	[dreg:$0x2] =	wrdreg s2  }
0xb0: {  	[dreg:$0x3] =	wrdreg s18  }
0xb1: {  	[dreg:$0x4] =	wrdreg s24  }
0xb2: {  	[dreg:$0x5] =	wrdreg $0x9  }
0xb3: {  	_ =	task.clear_ibuf [dreg:s8], $0x6FFFF;
	_ =	strace $0x90000046  }
0xb4: {  	s29 =	simm.s32 $0x9;
	_ =	strace $0x80000048  }
0xb5: {  	_ =	swait.ge [sflag:s29], $0x1  }
0xb6: {  	[sflag:s29] =	ssyncadd.s32 $0xFFFFFFFF  }
0xb7: {  	_ =	strace $0x90000048  }
0xb8: {  	_ =	sfence  }
0xb9: {  	s30 =	sld [smem:$0x0];
	_ =	sdelay $0x2  }
0xba: {  	s31 =	sshll.u32 s1, $0xD;
	s1 =	sshrl.u32 s1, $0x2  }
0xbb: {  	s3 =	sand.u32 $0x4000, s31;
	s1 =	sadd.s32 s1, s30  }
0xbc: {  	s0 =	sor.u32 s3, s0;
	s1 =	sshll.u32 s1, $0x11  }
0xbd: {  	s0 =	sor.u32 s1, s0  }
0xbe: {  	s0 =	sadd.s32 $0x8F2B, s0  }
0xbf: {  	[sflag:s0] =	ssyncadd.remote.s32 $0x1  }
0xc0: {  	_ =	sfence.sel $0xFFFF  }
0xc1: {  	[dreg:$0x0] =	wrdreg $0xFFFFFFFF;
	(pc) =	sbr.abs _section_cstart, $3  }
0xc2: {  	[dreg:$0x1] =	wrdreg $0xFFFFFFFF  }
0xc3: {  	_ =	task.clear_ibuf [dreg:s8], $0x2FFFF;
	_ =	strace $0x9FFFFFFF  }
0xc4: {  	(tm) =	ssettm $0x7FFFFFFF  }
0xc5: {  	_ =	shalt  }
tec
execute0_lowered:
.L_overlay_start_1:
0x0: {  	(tag) =	ssettag $0x1  }
0x1: {  	v0 =	vimm.s32 $0x1F80;
	vm0 =	vcmask $0x300;
	v1 =	vimm.s32 $0x5780  }
0x2: {  	vm1 =	vcmask $0x704;
	v0 =	vsel vm0, $0x0, v0;
	v1 =	vsel vm0, $0x3800, v1  }
0x3: {  	vm15 =	vcmask $0xB08;
	v0 =	vsel vm1, $0x80, v0;
	v1 =	vsel vm1, $0x3880, v1  }
0x4: {  	s0 =	rddreg [dreg:$0x0];
	vm4 =	vcmask $0xF0C;
	v0 =	vsel vm15, $0x100, v0;
	v1 =	vsel vm15, $0x3900, v1  }
0x5: {  	s3 =	rddreg [dreg:$0x2];
	vm5 =	vcmask $0x1310;
	v0 =	vsel vm4, $0x180, v0;
	v1 =	vsel vm4, $0x3980, v1  }
0x6: {  	s4 =	srdreg.scid;
	s1 =	stileid.u32;
	vm6 =	vcmask $0x1714;
	v0 =	vsel vm5, $0x200, v0;
	v1 =	vsel vm5, $0x3A00, v1  }
0x7: {  	vm7 =	vcmask $0x1B18;
	s14 =	simm.s32 $0x1C00;
	s15 =	simm.s32 $0x3800;
	s16 =	simm.s32 $0x5400;
	v0 =	vsel vm6, $0x280, v0;
	v1 =	vsel vm6, $0x3A80, v1  }
0x8: {  	vm8 =	vcmask $0x1F1C;
	s17 =	simm.s32 $0x1;
	s18 =	simm.s32 $0x7000;
	s19 =	simm.s32 $0x14000;
	v0 =	vsel vm7, $0x300, v0;
	v1 =	vsel vm7, $0x3B00, v1  }
0x9: {  	vm9 =	vcmask $0x2320;
	s20 =	simm.s32 $0x2;
	s5 =	sand.u32 $0x1, s4;
	s6 =	sshll.u32 s1, $0x1;
	v0 =	vsel vm8, $0x380, v0;
	v1 =	vsel vm8, $0x3B80, v1  }
0xa: {  	vm10 =	vcmask $0x2724;
	s21 =	simm.s32 $0xE000;
	s7 =	ssub.s32 $0x2, s5;
	s5 =	sor.u32 s5, s6;
	v0 =	vsel vm9, $0x1C00, v0;
	v1 =	vsel vm9, $0x5400, v1  }
0xb: {  	vm11 =	vcmask $0x2B28;
	s22 =	simm.s32 $0x0;
	s4 =	simm.s32 $0x0;
	s9 =	smul.u32 $0x300, s5;
	v0 =	vsel vm10, $0x1C80, v0;
	v1 =	vsel vm10, $0x5480, v1  }
.Ltmp0:
0xc: {  	vm12 =	vcmask $0x2F2C;
	[smem:$0x7FF] =	sst s4;
	s6 =	sadd.s32 $0x1000, s3;
	v0 =	vsel vm11, $0x1D00, v0;
	v1 =	vsel vm11, $0x5500, v1;
	(pc) =	sbr.rel .LBB2_1-.Ltmp0, $4  }
0xd: {  	vm13 =	vcmask $0x3330;
	s8 =	sshrl.u32 s7, $0x1;
	_ =	strace $0x80000047;
	s10 =	ssub.s32 $0x515, s5;
	v0 =	vsel vm12, $0x1D80, v0;
	v1 =	vsel vm12, $0x5580, v1  }
0xe: {  	vm14 =	vcmask $0x3734;
	p0 =	sne.s32 s5, $0x11;
	s12 =	ssub.s32 s7, s8;
	s7 =	sadd.s32 s0, s9;
	v0 =	vsel vm13, $0x1E00, v0;
	v1 =	vsel vm13, $0x5600, v1  }
0xf: {  	vm15 =	vcmask $0x3B38;
	s8 =	sadd.s32 $0x3D1800, s3;
	s9 =	sshrl.u32 s10, $0x5;
	s10 =	sadd.s32 $0xF4280, s7;
	v0 =	vsel vm14, $0x1E80, v0;
	v1 =	vsel vm14, $0x5680, v1  }
0x10: {  	s12 =	smax.u32 s12, $0x1;
	s11 =	sadd.s32 $0x1E8500, s7;
	s13 =	sadd.s32 $0x2DC780, s7;
	v0 =	vsel vm15, $0x1F00, v0;
	v1 =	vsel vm15, $0x5700, v1  }
.LBB2_11:
0x11: {  	_ =	swait.ge [sflag:s20], $0x6000  }
0x12: {  	[sflag:s20] =	ssyncset.done $0x0  }
0x13: {  	[sflag:s20] =	ssyncadd.s32 $0xFFFFA000  }
0x14: {  	_ =	swait.ge [sflag:s20], $0x6000  }
0x15: {  	[sflag:s20] =	ssyncset.done $0x0  }
0x16: {  	[sflag:s20] =	ssyncadd.s32 $0xFFFFA000  }
0x17: {  	s1 =	simm.s32 @!p0 $0x0;
	s2 =	simm.s32 @!p0 $0xE000;
	s3 =	rddreg [dreg:$0x1]  }
0x18: {  	[tilespmem:s2], [sflag:$0x3] =	stream.linear.gather @!p0 [hbm4b:s3+s1], $0x800, $0x38;
	[tilespmem:$0x1A000] =	vst v63  }
0x19: {  	s3 =	simm.s32 @!p0 $0x3  }
0x1a: {  	s22 =	sadd.s32 $0x1, s22;
	_ =	swait.ge @!p0 [sflag:s3], $0x800  }
0x1b: {  	p1 =	sne.s32 s22, s12;
	[sflag:s3] =	ssyncset.done @!p0 $0x0  }
.Ltmp1:
0x1c: {  	[sflag:s3] =	ssyncadd.s32 @!p0 $0xFFFFF800;
	(pc) =	sbr.rel @!p1 .LBB2_12-.Ltmp1, $4  }
0x1d: {  	[hbm4b:s8+s1] =	stream.linear.scatter @!p0 [tilespmem:s2], [sflag:$0x3], $0x800, $0x38;
	[tilespmem:$0x1A000] =	vst v63  }
0x1e: {  	_ =	swait.ge @!p0 [sflag:s3], $0x800  }
0x1f: {  	[sflag:s3] =	ssyncset.done @!p0 $0x0  }
0x20: {  	[sflag:s3] =	ssyncadd.s32 @!p0 $0xFFFFF800  }
.LBB2_1:
0x21: {  	[tilespmem:s4], [sflag:$0x1] =	stream.linear.gather [hbm4b:s7+s4], $0x1800, $0x38;
	[tilespmem:$0x1A000] =	vst v63  }
0x22: {  	_ = 	snop  }
0x23: {  	[tilespmem:s14], [sflag:$0x1] =	stream.linear.gather [hbm4b:s10+s4], $0x1800, $0x38;
	[tilespmem:$0x1A000] =	vst v63  }
.Ltmp2:
0x24: {  	_ = 	snop;
	(pc) =	sbr.rel .LBB2_2-.Ltmp2, $4  }
0x25: {  	_ = 	snop  }
0x26: {  	[tilespmem:s15], [sflag:$0x1] =	stream.linear.gather [hbm4b:s11+s4], $0x1800, $0x38;
	[tilespmem:$0x1A000] =	vst v63  }
0x27: {  	s23 =	simm.s32 $0x0  }
0x28: {  	[tilespmem:s16], [sflag:$0x1] =	stream.linear.gather [hbm4b:s13+s4], $0x1800, $0x38;
	[tilespmem:$0x1A000] =	vst v63  }
.LBB2_10:
0x29: {  	s23 =	sadd.s32 $0x1, s23  }
0x2a: {  	p1 =	sne.s32 s23, $0x15  }
.Ltmp3:
0x2b: {  	_ = 	snop;
	(pc) =	sbr.rel @!p1 .LBB2_11-.Ltmp3, $1  }
0x2c: {  	_ =	sdelay $0x3  }
.LBB2_2:
0x2d: {  	s24 =	sshll.u32 s23, $0x1  }
0x2e: {  	p1 =	sgt.u32 s24, s9  }
.Ltmp4:
0x2f: {  	_ = 	snop;
	(pc) =	sbr.rel @p1 .LBB2_6-.Ltmp4, $1  }
0x30: {  	_ =	sdelay $0x3  }
0x31: {  	s3 =	simm.s32 $0x0;
	s25 =	simm.s32 $0x4;
	s26 =	simm.s32 $0x8  }
0x32: {  	s1 =	simm.s32 $0x5;
	v2 =	vmov s3;
	v3 =	vmov s25;
	s25 =	simm.s32 $0xC;
	v4 =	vmov s26  }
0x33: {  	v10 =	vmov s1;
	v5 =	vshll.u32 v2, $0x3;
	v6 =	vmov s25  }
0x34: {  	s1 =	simm.s32 $0xF;
	v7 =	vshll.u32 v4, $0x3;
	v9 =	vshll.u32 v3, $0x3;
	v2 =	vand.u32 $0x70, v2  }
0x35: {  	v4 =	vand.u32 $0x78, v4;
	v3 =	vand.u32 $0x74, v3;
	v28 =	vmov s1  }
0x36: {  	s1 =	simm.s32 $0x1C;
	v8 =	vshll.u32 v6, $0x3;
	v7 =	vand.u32 $0x1C00, v7;
	v6 =	vand.u32 $0x7C, v6  }
0x37: {  	v5 =	vand.u32 $0x1C00, v5;
	v9 =	vand.u32 $0x1C00, v9;
	v35 =	vmov s1  }
0x38: {  	s26 =	sshll.u32 s23, $0x6;
	v8 =	vand.u32 $0x1C00, v8;
	v2 =	vor.u32 v2, v5;
	v4 =	vor.u32 v4, v7  }
0x39: {  	p1 =	sge.u32 s24, s9;
	s25 =	sor.u32 s5, s26;
	v3 =	vor.u32 v3, v9;
	v7 =	vshll.u32 v10, $0x3;
	v9 =	vand.u32 $0x75, v10  }
0x3a: {  	s28 =	simm.s32 $0x9;
	s26 =	smul.u32 @!p1 $0x1800, s25;
	v8 =	vor.u32 v6, v8;
	v6 =	vadd.s32 v1, v2;
	v7 =	vand.u32 $0x7FFFFC00, v7  }
0x3b: {  	v10 =	vadd.s32 v0, v4;
	v11 =	vadd.s32 v0, v2;
	v2 =	vmov s28  }
0x3c: {  	_ =	swait.ge [sflag:s17], $0x6000;
	s31 =	simm.s32 $0xD;
	s3 =	sshrl.u32 @!p1 s26, $0x3;
	v25 =	vadd.s32 v0, v3;
	v26 =	vadd.s32 v1, v4;
	v33 =	vadd.s32 v1, v3  }
0x3d: {  	[sflag:s17] =	ssyncset.done $0x0;
	s29 =	simm.s32 @!p1 $0x0;
	v5 =	vadd.s32 v0, v8;
	s3 =	sadd.s32 @!p1 s0, s3;
	v12 =	vor.u32 v9, v7;
	v14 =	vadd.s32 v1, v8  }
0x3e: {  	s30 =	simm.s32 @!p1 $0x7000;
	[sflag:s17] =	ssyncadd.s32 $0xFFFFA000;
	v7 =	vmov s31;
	v8 =	vshll.u32 v2, $0x3;
	v2 =	vand.u32 $0x79, v2;
	s26 =	sadd.s32 @!p1 $0x6000, s3  }
0x3f: {  	v9 =	vshll.u32 v7, $0x3;
	v8 =	vand.u32 $0x7FFFFC00, v8;
	v7 =	vand.u32 $0x7D, v7;
	[tilespmem:s30], [sflag:$0x1] =	stream.linear.gather @!p1 [hbm4b:s26+s29], $0x1800, $0x38;
	[tilespmem:$0x1A000] =	vst v63  }
0x40: {  	v21 =	vadd.s32 v0, v12;
	v12 =	vadd.s32 v1, v12;
	s30 =	simm.s32 $0x1;
	v9 =	vand.u32 $0x7FFFFC00, v9  }
0x41: {  	s2 =	simm.s32 $0xE;
	s28 =	simm.s32 @!p1 $0x8C00;
	s26 =	sadd.s32 @!p1 $0xFA280, s3;
	v15 =	vor.u32 v2, v8;
	v13 =	vmov s30;
	v7 =	vor.u32 v7, v9  }
0x42: {  	v9 =	vmov s2;
	v23 =	vadd.s32 v0, v15;
	v32 =	vadd.s32 v1, v15;
	[tilespmem:s28], [sflag:$0x1] =	stream.linear.gather @!p1 [hbm4b:s26+s29], $0x1800, $0x38;
	[tilespmem:$0x1A000] =	vst v63  }
0x43: {  	v2 =	vshll.u32 v13, $0x3;
	v8 =	vand.u32 $0x71, v13;
	s28 =	simm.s32 $0xA;
	v16 =	vshll.u32 v9, $0x3  }
0x44: {  	s30 =	simm.s32 @!p1 $0xA800;
	s26 =	sadd.s32 @!p1 $0x1EE500, s3;
	v20 =	vadd.s32 v0, v7;
	v2 =	vand.u32 $0x1C00, v2;
	v13 =	vmov s28;
	s28 =	simm.s32 $0x2  }
0x45: {  	v31 =	vadd.s32 v1, v7;
	v17 =	vor.u32 v8, v2;
	[tilespmem:s30], [sflag:$0x1] =	stream.linear.gather @!p1 [hbm4b:s26+s29], $0x1800, $0x38;
	v2 =	vand.u32 $0x7E, v9;
	[tilespmem:$0x1A000] =	vst v63  }
0x46: {  	s3 =	sadd.s32 @!p1 $0x2E2780, s3;
	v8 =	vand.u32 $0x7FFFFC00, v16;
	v9 =	vmov s28;
	v16 =	vshll.u32 v13, $0x3;
	s26 =	simm.s32 @!p1 $0xC400;
	s28 =	simm.s32 $0x6  }
0x47: {  	v18 =	vor.u32 v2, v8;
	v2 =	vshll.u32 v9, $0x3;
	v8 =	vand.u32 $0x7A, v13;
	[tilespmem:s26], [sflag:$0x1] =	stream.linear.gather @!p1 [hbm4b:s3+s29], $0x1800, $0x38;
	[tilespmem:$0x1A000] =	vst v63  }
0x48: {  	v13 =	vand.u32 $0x7FFFFC00, v16;
	v9 =	vand.u32 $0x72, v9;
	v16 =	vmov s28;
	p1 =	seq.s32 s23, $0x0  }
0x49: {  	v24 =	vadd.s32 v0, v17;
	s28 =	simm.s32 $0x3;
	v17 =	vadd.s32 v1, v17;
	v2 =	vand.u32 $0x1C00, v2;
	s3 =	simm.s32 @!p1 $0x2  }
0x4a: {  	v13 =	vor.u32 v8, v13;
	s26 =	simm.s32 $0xB;
	v4 =	vmov s28;
	v19 =	vor.u32 v9, v2;
	_ =	swait.ge @!p1 [sflag:s3], $0x6000  }
0x4b: {  	v8 =	vadd.s32 v0, v13;
	v2 =	vshll.u32 v16, $0x3;
	v9 =	vmov s26;
	[sflag:s3] =	ssyncset.done @!p1 $0x0  }
0x4c: {  	v29 =	vand.u32 $0x73, v4;
	v22 =	vand.u32 $0x7FFFFC00, v2;
	v2 =	vshll.u32 v9, $0x3;
	[sflag:s3] =	ssyncadd.s32 @!p1 $0xFFFFA000  }
0x4d: {  	s29 =	simm.s32 $0x7;
	v4 =	vshll.u32 v4, $0x3;
	v9 =	vand.u32 $0x7B, v9;
	v2 =	vand.u32 $0x7FFFFC00, v2;
	v5 =	vld.idx.msk [tilespmem:v5+s4+$0x0], $0xffff  }
0x4e: {  	v13 =	vadd.s32 v1, v13;
	v27 =	vor.u32 v9, v2;
	v9 =	vmov s29;
	v11 =	vld.idx.msk [tilespmem:v11+s4+$0x0], $0xffff  }
0x4f: {  	v4 =	vand.u32 $0x1C00, v4;
	v30 =	vand.u32 $0x77, v9;
	v9 =	vshll.u32 v9, $0x3  }
0x50: {  	v2 =	vadd.s32 v1, v27;
	v7 =	vand.u32 $0x7FFFFC00, v9;
	v9 =	vadd.s32 v1, v19  }
0x51: {  	s26 =	simm.s32 $0xE100;
	v19 =	vadd.s32 v0, v19;
	v3 =	vor.u32 v30, v7;
	v7 =	vor.u32 v29, v4  }
0x52: {  	s29 =	simm.s32 $0x18;
	v29 =	vld.idx.msk [tilespmem:v10+s4+$0x0], $0xffff;
	v10 =	vand.u32 $0x76, v16;
	v16 =	vadd.s32 v0, v18;
	v4 =	vadd.s32 v0, v3;
	[tilespmem:s26+$0x80] =	vst v5  }
0x53: {  	v30 =	vmov s29;
	v3 =	vadd.s32 v1, v3;
	v15 =	vor.u32 v10, v22;
	[tilespmem:s26+$0xFFFFFF00] =	vst v11;
	v11 =	vld.idx.msk [tilespmem:v25+s4+$0x0], $0xffff  }
0x54: {  	v22 =	vadd.s32 v1, v18;
	v18 =	vand.u32 $0x7F, v28;
	v36 =	vshll.u32 v30, $0x3;
	v14 =	vld.idx.msk [tilespmem:v14+s4+$0x0], $0xffff  }
0x55: {  	v28 =	vshll.u32 v28, $0x3;
	v30 =	vand.u32 $0x78, v30;
	v10 =	vadd.s32 v0, v15;
	v6 =	vld.idx.msk [tilespmem:v6+s4+$0x0], $0xffff  }
0x56: {  	s2 =	simm.s32 $0x10;
	s28 =	simm.s32 $0x14;
	v15 =	vadd.s32 v1, v15;
	v28 =	vand.u32 $0x7FFFFC00, v28;
	v5 =	vadd.s32 v0, v27  }
0x57: {  	v27 =	vmov s2;
	v25 =	vmov s28;
	v39 =	vor.u32 v18, v28;
	[tilespmem:s26+$0x0] =	vst v29  }
0x58: {  	v34 =	vshll.u32 v27, $0x3;
	v37 =	vshll.u32 v25, $0x3;
	v27 =	vand.u32 $0x70, v27;
	[tilespmem:s26+$0xFFFFFF80] =	vst v11  }
0x59: {  	v25 =	vand.u32 $0x74, v25;
	v38 =	vadd.s32 v0, v39;
	v29 =	vshll.u32 v35, $0x3;
	v26 =	vld.idx.msk [tilespmem:v26+s4+$0x0], $0xffff;
	[tilespmem:s26+$0x90] =	vst v14  }
0x5a: {  	v35 =	vand.u32 $0x7C, v35;
	v34 =	vand.u32 $0x1C00, v34;
	v29 =	vand.u32 $0x1C00, v29;
	[tilespmem:s26+$0xFFFFFF10] =	vst v6;
	v6 =	vld.idx.msk [tilespmem:v33+s4+$0x0], $0xffff  }
0x5b: {  	s2 =	simm.s32 $0x15;
	v56 =	vand.u32 $0x1C00, v37;
	v27 =	vor.u32 v27, v34;
	v29 =	vor.u32 v35, v29;
	v20 =	vld.idx.msk [tilespmem:v20+s4+$0x0], $0xffff  }
0x5c: {  	v58 =	vadd.s32 v1, v27;
	v11 =	vmov s2;
	v14 =	vand.u32 $0x1C00, v36;
	v24 =	vld.idx.msk [tilespmem:v24+s4+$0x0], $0xffff  }
0x5d: {  	v33 =	vor.u32 v25, v56;
	v30 =	vor.u32 v30, v14;
	v14 =	vshll.u32 v11, $0x3  }
0x5e: {  	s1 =	simm.s32 $0x19;
	v11 =	vand.u32 $0x75, v11;
	[tilespmem:s26+$0x10] =	vst v26;
	v14 =	vand.u32 $0x7FFFFC00, v14;
	v25 =	vadd.s32 v0, v30  }
0x5f: {  	v57 =	vadd.s32 v0, v29;
	v23 =	vld.idx.msk [tilespmem:v23+s4+$0x0], $0xffff;
	v59 =	vor.u32 v11, v14;
	v11 =	vmov s1;
	[tilespmem:s26+$0xFFFFFF90] =	vst v6  }
0x60: {  	s28 =	simm.s32 $0x1D;
	v30 =	vadd.s32 v1, v30;
	v14 =	vshll.u32 v11, $0x3;
	v11 =	vand.u32 $0x79, v11;
	[tilespmem:s26+$0xA0] =	vst v20;
	v18 =	vld.idx.msk [tilespmem:v21+s4+$0x0], $0xffff  }
0x61: {  	v6 =	vmov s28;
	v14 =	vand.u32 $0x7FFFFC00, v14;
	v20 =	vadd.s32 v0, v27;
	[tilespmem:s26+$0xFFFFFF20] =	vst v24;
	v26 =	vld.idx.msk [tilespmem:v31+s4+$0x0], $0xffff  }
0x62: {  	s29 =	simm.s32 $0x17;
	s2 =	simm.s32 $0x11;
	v27 =	vadd.s32 v1, v29;
	v21 =	vshll.u32 v6, $0x3;
	v6 =	vand.u32 $0x7D, v6;
	v17 =	vld.idx.msk [tilespmem:v17+s4+$0x0], $0xffff  }
0x63: {  	v24 =	vmov s2;
	v21 =	vand.u32 $0x7FFFFC00, v21;
	v62 =	vld.idx.msk [tilespmem:v25+s4+$0x0], $0xffff;
	v25 =	vmov s29  }
0x64: {  	s1 =	simm.s32 $0x1E;
	v60 =	vld.idx.msk [tilespmem:v57+s4+$0x0], $0xffff;
	s28 =	simm.s32 $0x1A;
	[tilespmem:s26+$0x20] =	vst v23;
	v23 =	vor.u32 v11, v14;
	v28 =	vor.u32 v6, v21;
	v6 =	vshll.u32 v24, $0x3  }
0x65: {  	v11 =	vand.u32 $0x71, v24;
	v21 =	vmov s1;
	v24 =	vmov s28;
	s1 =	simm.s32 $0x16;
	v14 =	vld.idx.msk [tilespmem:v32+s4+$0x0], $0xffff  }
0x66: {  	v63 =	vand.u32 $0x77, v25;
	v6 =	vand.u32 $0x1C00, v6;
	v31 =	vmov s1;
	[tilespmem:s26+$0xFFFFFFA0] =	vst v18;
	v20 =	vld.idx.msk [tilespmem:v20+s4+$0x0], $0xffff  }
0x67: {  	s2 =	simm.s32 $0x12;
	v32 =	vadd.s32 v0, v7;
	v29 =	vor.u32 v11, v6;
	v6 =	vand.u32 $0x7E, v21;
	[tilespmem:s26+$0xB0] =	vst v26;
	v12 =	vld.idx.msk [tilespmem:v12+s4+$0x0], $0xffff  }
0x68: {  	s28 =	simm.s32 $0xE300;
	v18 =	vmov s2;
	v26 =	vshll.u32 v21, $0x3;
	[tilespmem:s26+$0xFFFFFF30] =	vst v17;
	v17 =	vshll.u32 v24, $0x3;
	v16 =	vld.idx.msk [tilespmem:v16+s4+$0x0], $0xffff  }
0x69: {  	[tilespmem:s28+$0x80] =	vst v60;
	s2 =	simm.s32 $0x1B;
	v21 =	vand.u32 $0x7A, v24;
	v11 =	vand.u32 $0x7FFFFC00, v26;
	v19 =	vld.idx.msk [tilespmem:v19+s4+$0x0], $0xffff;
	v17 =	vand.u32 $0x7FFFFC00, v17  }
0x6a: {  	v26 =	vmov s2;
	v11 =	vor.u32 v6, v11;
	v6 =	vshll.u32 v18, $0x3;
	[tilespmem:s26+$0x30] =	vst v14  }
0x6b: {  	v18 =	vand.u32 $0x72, v18;
	v24 =	vor.u32 v21, v17;
	v17 =	vshll.u32 v31, $0x3;
	v8 =	vld.idx.msk [tilespmem:v8+s4+$0x0], $0xffff;
	[tilespmem:s28+$0xFFFFFF00] =	vst v20  }
0x6c: {  	v14 =	vadd.s32 v0, v23;
	v6 =	vand.u32 $0x1C00, v6;
	[tilespmem:s26+$0xFFFFFFB0] =	vst v12;
	v12 =	vadd.s32 v0, v33;
	v35 =	vld.idx.msk [tilespmem:v58+s4+$0x0], $0xffff  }
0x6d: {  	v61 =	vshll.u32 v26, $0x3;
	v21 =	vadd.s32 v0, v29;
	v18 =	vor.u32 v18, v6;
	[tilespmem:s26+$0xC0] =	vst v16;
	v10 =	vld.idx.msk [tilespmem:v10+s4+$0x0], $0xffff  }
0x6e: {  	v6 =	vadd.s32 v0, v24;
	[tilespmem:s26+$0xFFFFFF40] =	vst v19;
	v19 =	vand.u32 $0x7B, v26;
	v26 =	vand.u32 $0x7FFFFC00, v61;
	v22 =	vld.idx.msk [tilespmem:v22+s4+$0x0], $0xffff  }
0x6f: {  	s1 =	simm.s32 $0x13;
	v20 =	vadd.s32 v0, v28;
	v16 =	vadd.s32 v0, v59;
	v40 =	vor.u32 v19, v26;
	v41 =	vld.idx.msk [tilespmem:v9+s4+$0x0], $0xffff  }
0x70: {  	[tilespmem:s28+$0x0] =	vst v62;
	v19 =	vmov s1;
	v26 =	vld.idx.msk [tilespmem:v27+s4+$0x0], $0xffff;
	v27 =	vadd.s32 v1, v29;
	v29 =	vand.u32 $0x7FFFFC00, v17  }
0x71: {  	v9 =	vadd.s32 v1, v40;
	[tilespmem:s26+$0x40] =	vst v8;
	v8 =	vand.u32 $0x73, v19;
	v42 =	vld.idx.msk [tilespmem:v12+s4+$0x0], $0xffff;
	v12 =	vshll.u32 v25, $0x3  }
0x72: {  	v19 =	vshll.u32 v19, $0x3;
	v25 =	vadd.s32 v1, v28;
	[tilespmem:s28+$0xFFFFFF10] =	vst v35;
	v28 =	vand.u32 $0x7FFFFC00, v12  }
0x73: {  	v36 =	vld.idx.msk [tilespmem:v30+s4+$0x0], $0xffff;
	[tilespmem:s26+$0xD0] =	vst v22;
	v22 =	vand.u32 $0x1C00, v19;
	v19 =	vadd.s32 v1, v23;
	v23 =	vadd.s32 v1, v33  }
0x74: {  	v30 =	vadd.s32 v0, v40;
	v12 =	vadd.s32 v1, v7;
	[tilespmem:s26+$0xFFFFFFC0] =	vst v10;
	v10 =	vor.u32 v63, v28  }
0x75: {  	v35 =	vld.idx.msk [tilespmem:v15+s4+$0x0], $0xffff;
	v7 =	vor.u32 v8, v22;
	v28 =	vadd.s32 v0, v10;
	v17 =	vadd.s32 v1, v10  }
0x76: {  	s2 =	simm.s32 $0x1F;
	[tilespmem:s26+$0xFFFFFF50] =	vst v41;
	v8 =	vadd.s32 v1, v24;
	v34 =	vld.idx.msk [tilespmem:v38+s4+$0x0], $0xffff;
	v10 =	vadd.s32 v1, v18;
	v24 =	vand.u32 $0x76, v31  }
0x77: {  	v33 =	vld.idx.msk [tilespmem:v13+s4+$0x0], $0xffff;
	v31 =	vmov s2;
	v22 =	vadd.s32 v1, v59;
	v37 =	vor.u32 v24, v29;
	[tilespmem:s28+$0xFFFFFF80] =	vst v42  }
0x78: {  	s31 =	simm.s32 $0x2F;
	s30 =	simm.s32 $0x4;
	s29 =	simm.s32 $0xE300;
	v29 =	vadd.s32 v0, v11;
	v15 =	vadd.s32 v0, v37;
	v38 =	vld.idx.msk [tilespmem:v23+s4+$0x0], $0xffff;
	v23 =	vadd.s32 v1, v39  }
.LBB2_4:
0x79: {  	s3 =	sadd.s32 $0xFFFFFFF1, s31;
	s2 =	sadd.s32 $0xFFFFFFF5, s31;
	s1 =	sadd.s32 $0xFFFFFFF9, s31;
	v18 =	vadd.s32 v0, v18;
	[tilespmem:s28+$0x90] =	vst v26;
	v26 =	vadd.s32 v1, v11;
	v11 =	vand.u32 $0x7F, v31;
	v24 =	vld.idx.msk [tilespmem:v32+s4+$0x0], $0xffff  }
0x7a: {  	s30 =	sadd.s32 $0x4, s30;
	v13 =	vadd.s32 v1, v37;
	v32 =	vmov s3;
	v39 =	vmov s2;
	s2 =	sadd.s32 $0xFFFFFFFD, s31;
	s3 =	sadd.s32 $0xFFFFFFFE, s31;
	[tilespmem:s28+$0x10] =	vst v36  }
0x7b: {  	v37 =	vmov s1;
	p1 =	slt.u32 s30, $0xBC;
	v36 =	vshll.u32 v32, $0x3;
	v40 =	vmov s2;
	v20 =	vld.idx.msk [tilespmem:v20+s4+$0x0], $0xffff;
	[tilespmem:s26+$0xE0] =	vst v34  }
0x7c: {  	v31 =	vshll.u32 v31, $0x3;
	s1 =	sadd.s32 $0xFFFFFFF6, s31;
	v34 =	vshll.u32 v37, $0x3;
	v41 =	vshll.u32 v40, $0x3;
	v21 =	vld.idx.msk [tilespmem:v21+s4+$0x0], $0xffff;
	[tilespmem:s26+$0xFFFFFFD0] =	vst v35  }
0x7d: {  	v31 =	vand.u32 $0x7FFFFC00, v31;
	v35 =	vshll.u32 v39, $0x3;
	v34 =	vand.u32 $0x1C00, v34;
	v42 =	vld.idx.msk [tilespmem:v4+s4+$0x0], $0xffff;
	[tilespmem:s26+$0x50] =	vst v33;
	v4 =	vmovc v28  }
0x7e: {  	v28 =	vand.u32 $0x70, v32;
	v32 =	vand.u32 $0x78, v37;
	v33 =	vand.u32 $0x7C, v40;
	[tilespmem:s28+$0xFFFFFF90] =	vst v38;
	v37 =	vld.idx.msk [tilespmem:v5+s4+$0x0], $0xffff;
	v5 =	vmovc v30  }
0x7f: {  	v30 =	vand.u32 $0x1C00, v36;
	v36 =	vmov s1;
	v38 =	vand.u32 $0x1C00, v41;
	v16 =	vld.idx.msk [tilespmem:v16+s4+$0x0], $0xffff;
	[tilespmem:s26+$0xFFFFFF60] =	vst v24  }
0x80: {  	v35 =	vand.u32 $0x1C00, v35;
	v24 =	vand.u32 $0x74, v39;
	v33 =	vor.u32 v33, v38;
	v14 =	vld.idx.msk [tilespmem:v14+s4+$0x0], $0xffff  }
0x81: {  	v32 =	vor.u32 v32, v34;
	v30 =	vor.u32 v28, v30;
	v34 =	vadd.s32 v0, v33;
	[tilespmem:s28+$0xA0] =	vst v20  }
0x82: {  	v38 =	vadd.s32 v1, v30;
	v28 =	vor.u32 v24, v35;
	v20 =	vshll.u32 v36, $0x3;
	[tilespmem:s28+$0xFFFFFF20] =	vst v21;
	v21 =	vld.idx.msk [tilespmem:v25+s4+$0x0], $0xffff  }
0x83: {  	v24 =	vand.u32 $0x75, v36;
	v20 =	vand.u32 $0x7FFFFC00, v20;
	v25 =	vadd.s32 v0, v32;
	[tilespmem:s26+$0xFFFFFFE0] =	vst v42;
	v35 =	vld.idx.msk [tilespmem:v23+s4+$0x0], $0xffff  }
0x84: {  	s1 =	sadd.s32 $0xFFFFFFFA, s31;
	v30 =	vadd.s32 v0, v30;
	v33 =	vadd.s32 v1, v33;
	v23 =	vor.u32 v24, v20;
	v20 =	vld.idx.msk [tilespmem:v3+s4+$0x0], $0xffff  }
0x85: {  	v39 =	vmov s3;
	v36 =	vmov s1;
	v24 =	vor.u32 v11, v31;
	v3 =	vmovc v17;
	v27 =	vld.idx.msk [tilespmem:v27+s4+$0x0], $0xffff;
	[tilespmem:s28+$0xFFFFFFA0] =	vst v16  }
0x86: {  	v11 =	vand.u32 $0x79, v36;
	v17 =	vshll.u32 v39, $0x3;
	v16 =	vshll.u32 v36, $0x3;
	[tilespmem:s28+$0x20] =	vst v14;
	v12 =	vld.idx.msk [tilespmem:v12+s4+$0x0], $0xffff  }
0x87: {  	s1 =	sadd.s32 $0xFFFFFFF2, s31;
	v17 =	vand.u32 $0x7FFFFC00, v17;
	v14 =	vand.u32 $0x7FFFFC00, v16;
	v16 =	vand.u32 $0x7D, v39;
	v19 =	vld.idx.msk [tilespmem:v19+s4+$0x0], $0xffff;
	[tilespmem:s26+$0x60] =	vst v37  }
0x88: {  	v31 =	vmov s1;
	s1 =	sadd.s32 $0xFFFFFFFF, s31;
	v36 =	vor.u32 v11, v14;
	v17 =	vor.u32 v16, v17;
	[tilespmem:s28+$0xB0] =	vst v21;
	v14 =	vld.idx.msk [tilespmem:v2+s4+$0x0], $0xffff;
	v2 =	vmovc v9  }
0x89: {  	s2 =	sadd.s32 $0xFFFFFFFB, s31;
	v11 =	vshll.u32 v31, $0x3;
	v16 =	vmov s1;
	v9 =	vand.u32 $0x71, v31;
	v21 =	vld.idx.msk [tilespmem:v29+s4+$0x0], $0xffff;
	[tilespmem:s26+$0xF0] =	vst v35  }
0x8a: {  	v11 =	vand.u32 $0x1C00, v11;
	v31 =	vshll.u32 v16, $0x3;
	v29 =	vld.idx.msk [tilespmem:v30+s4+$0x0], $0xffff;
	v30 =	vmov s2;
	[tilespmem:s26+$0xFFFFFFF0] =	vst v20  }
0x8b: {  	s1 =	sadd.s32 $0xFFFFFFF3, s31;
	s28 =	sadd.s32 $0x200, s28;
	v35 =	vor.u32 v9, v11;
	v9 =	vand.u32 $0x7E, v16;
	v11 =	vand.u32 $0x7FFFFC00, v31;
	[tilespmem:s29+$0xFFFFFF30] =	vst v27;
	v22 =	vld.idx.msk [tilespmem:v22+s4+$0x0], $0xffff  }
0x8c: {  	v16 =	vmov s1;
	v11 =	vor.u32 v9, v11;
	v20 =	vshll.u32 v30, $0x3;
	v9 =	vld.idx.msk [tilespmem:v18+s4+$0x0], $0xffff;
	[tilespmem:s26+$0xFFFFFF70] =	vst v12  }
0x8d: {  	v12 =	vshll.u32 v16, $0x3;
	v18 =	vand.u32 $0x7A, v30;
	v20 =	vand.u32 $0x7FFFFC00, v20;
	[tilespmem:s29+$0x30] =	vst v19  }
0x8e: {  	s1 =	sadd.s32 $0xFFFFFFF7, s31;
	v16 =	vand.u32 $0x72, v16;
	v12 =	vand.u32 $0x1C00, v12;
	v30 =	vor.u32 v18, v20;
	[tilespmem:s26+$0x70] =	vst v14;
	s26 =	smov.u32 s29;
	s29 =	smov.u32 s28  }
0x8f: {  	v37 =	vmov s1;
	s1 =	sadd.s32 $0xFFFFFFFC, s31;
	v18 =	vor.u32 v16, v12;
	v12 =	vld.idx.msk [tilespmem:v6+s4+$0x0], $0xffff;
	v6 =	vadd.s32 v0, v30;
	[tilespmem:s26+$0xC0] =	vst v21  }
0x90: {  	v19 =	vmov s1;
	v20 =	vadd.s32 v0, v17;
	v14 =	vshll.u32 v37, $0x3;
	[tilespmem:s28+$0xFFFFFF00] =	vst v29;
	v26 =	vld.idx.msk [tilespmem:v26+s4+$0x0], $0xffff  }
0x91: {  	v16 =	vadd.s32 v0, v23;
	v29 =	vand.u32 $0x7FFFFC00, v14;
	v14 =	vadd.s32 v0, v36;
	v27 =	vld.idx.msk [tilespmem:v34+s4+$0x0], $0xffff;
	[tilespmem:s26+$0xFFFFFFB0] =	vst v22  }
0x92: {  	v31 =	vshll.u32 v19, $0x3;
	v21 =	vadd.s32 v0, v35;
	v22 =	vadd.s32 v0, v28;
	[tilespmem:s26+$0xFFFFFF40] =	vst v9;
	v15 =	vld.idx.msk [tilespmem:v15+s4+$0x0], $0xffff  }
0x93: {  	v39 =	vadd.s32 v0, v24;
	v9 =	vand.u32 $0x7B, v19;
	v19 =	vand.u32 $0x7FFFFC00, v31;
	v34 =	vld.idx.msk [tilespmem:v25+s4+$0x0], $0xffff  }
0x94: {  	v40 =	vadd.s32 v1, v32;
	s2 =	sadd.s32 $0xFFFFFFF8, s31;
	s1 =	sadd.s32 $0xFFFFFFF4, s31;
	v31 =	vmov s31;
	v41 =	vor.u32 v9, v19;
	v10 =	vld.idx.msk [tilespmem:v10+s4+$0x0], $0xffff  }
0x95: {  	v19 =	vmov s1;
	v25 =	vmov s2;
	v9 =	vadd.s32 v1, v41;
	[tilespmem:s26+$0x40] =	vst v12  }
0x96: {  	v42 =	vand.u32 $0x73, v19;
	v32 =	vand.u32 $0x77, v25;
	v12 =	vshll.u32 v19, $0x3;
	v38 =	vld.idx.msk [tilespmem:v38+s4+$0x0], $0xffff;
	[tilespmem:s26+$0xD0] =	vst v26  }
0x97: {  	v43 =	vand.u32 $0x1C00, v12;
	v12 =	vshll.u32 v25, $0x3;
	v25 =	vadd.s32 v1, v17;
	v22 =	vld.idx.msk [tilespmem:v22+s4+$0x0], $0xffff;
	[tilespmem:s28+$0x80] =	vst v27  }
0x98: {  	v19 =	vadd.s32 v1, v36;
	v17 =	vand.u32 $0x7FFFFC00, v12;
	v12 =	vadd.s32 v1, v7;
	v26 =	vld.idx.msk [tilespmem:v33+s4+$0x0], $0xffff;
	[tilespmem:s26+$0xFFFFFFC0] =	vst v15  }
0x99: {  	v15 =	vadd.s32 v1, v28;
	v17 =	vor.u32 v32, v17;
	v32 =	vadd.s32 v0, v7;
	[tilespmem:s28+$0x0] =	vst v34  }
.Ltmp5:
0x9a: {  	v27 =	vadd.s32 v1, v35;
	v7 =	vor.u32 v42, v43;
	v28 =	vadd.s32 v0, v17;
	v36 =	vld.idx.msk [tilespmem:v40+s4+$0x0], $0xffff;
	(pc) =	sbr.rel @p1 .LBB2_4-.Ltmp5, $4  }
0x9b: {  	v17 =	vadd.s32 v1, v17;
	v40 =	vadd.s32 v1, v30;
	[tilespmem:s26+$0xFFFFFF50] =	vst v10;
	v34 =	vld.idx.msk [tilespmem:v39+s4+$0x0], $0xffff  }
0x9c: {  	v33 =	vand.u32 $0x76, v37;
	v30 =	vadd.s32 v0, v41;
	v10 =	vadd.s32 v1, v18;
	[tilespmem:s28+$0xFFFFFF10] =	vst v38;
	v35 =	vld.idx.msk [tilespmem:v13+s4+$0x0], $0xffff  }
0x9d: {  	v37 =	vor.u32 v33, v29;
	[tilespmem:s28+$0xFFFFFF80] =	vst v22;
	v22 =	vadd.s32 v1, v23;
	v33 =	vld.idx.msk [tilespmem:v8+s4+$0x0], $0xffff;
	v8 =	vmov v40  }
0x9e: {  	s31 =	sadd.s32 $0x10, s31;
	v29 =	vadd.s32 v0, v11;
	v23 =	vadd.s32 v1, v24;
	v38 =	vld.idx.msk [tilespmem:v15+s4+$0x0], $0xffff;
	v15 =	vadd.s32 v0, v37  }
0x9f: {  	_ =	sdelay $0x3  }
0xa0: {  	[tilespmem:s28+$0x90] =	vst v26;
	v44 =	vld.idx.msk [tilespmem:v21+s4+$0x0], $0xffff  }
0xa1: {  	[tilespmem:s28+$0x10] =	vst v36;
	v13 =	vld.idx.msk [tilespmem:v20+s4+$0x0], $0xffff  }
0xa2: {  	v14 =	vld.idx.msk [tilespmem:v14+s4+$0x0], $0xffff;
	[tilespmem:s28+$0xFFFFFF90] =	vst v38  }
0xa3: {  	v16 =	vld.idx.msk [tilespmem:v16+s4+$0x0], $0xffff;
	_ =	sdelay $0x1  }
0xa4: {  	[tilespmem:s28+$0xFFFFFF20] =	vst v44  }
0xa5: {  	[tilespmem:s28+$0xA0] =	vst v13;
	v20 =	vld.idx.msk [tilespmem:v27+s4+$0x0], $0xffff  }
0xa6: {  	v45 =	vadd.s32 v0, v18;
	[tilespmem:s28+$0x20] =	vst v14;
	v13 =	vld.idx.msk [tilespmem:v25+s4+$0x0], $0xffff  }
0xa7: {  	v46 =	vld.idx.msk [tilespmem:v19+s4+$0x0], $0xffff;
	[tilespmem:s28+$0xFFFFFFA0] =	vst v16  }
0xa8: {  	[tilespmem:s26+$0xE0] =	vst v34;
	v16 =	vld.idx.msk [tilespmem:v22+s4+$0x0], $0xffff  }
0xa9: {  	[tilespmem:s26+$0xFFFFFFD0] =	vst v35  }
0xaa: {  	v47 =	vld.idx.msk [tilespmem:v32+s4+$0x0], $0xffff;
	[tilespmem:s29+$0xFFFFFF30] =	vst v20  }
0xab: {  	[tilespmem:s28+$0xB0] =	vst v13;
	v14 =	vld.idx.msk [tilespmem:v45+s4+$0x0], $0xffff  }
0xac: {  	[tilespmem:s29+$0x30] =	vst v46;
	v13 =	vld.idx.msk [tilespmem:v29+s4+$0x0], $0xffff  }
0xad: {  	v11 =	vadd.s32 v1, v11;
	v6 =	vld.idx.msk [tilespmem:v6+s4+$0x0], $0xffff;
	[tilespmem:s29+$0xFFFFFFB0] =	vst v16  }
0xae: {  	[tilespmem:s26+$0x50] =	vst v33;
	v15 =	vld.idx.msk [tilespmem:v15+s4+$0x0], $0xffff  }
0xaf: {  	v48 =	vadd.s32 v1, v37;
	v54 =	vld.idx.msk [tilespmem:v23+s4+$0x0], $0xffff;
	[tilespmem:s26+$0xFFFFFF60] =	vst v47  }
0xb0: {  	v49 =	vshll.u32 v31, $0x3;
	v4 =	vld.idx.msk [tilespmem:v4+s4+$0x0], $0xffff;
	[tilespmem:s29+$0xFFFFFF40] =	vst v14  }
0xb1: {  	v50 =	vand.u32 $0x7F, v31;
	v18 =	vand.u32 $0x7FFFFC00, v49;
	[tilespmem:s29+$0xC0] =	vst v13;
	v10 =	vld.idx.msk [tilespmem:v10+s4+$0x0], $0xffff  }
0xb2: {  	v53 =	vadd.s32 v0, v7;
	v51 =	vor.u32 v50, v18;
	[tilespmem:s29+$0x40] =	vst v6;
	v11 =	vld.idx.msk [tilespmem:v11+s4+$0x0], $0xffff  }
0xb3: {  	v52 =	vadd.s32 v0, v51;
	v6 =	vld.idx.msk [tilespmem:v8+s4+$0x0], $0xffff;
	[tilespmem:s29+$0xFFFFFFC0] =	vst v15  }
0xb4: {  	[tilespmem:s26+$0xF0] =	vst v54;
	v15 =	vld.idx.msk [tilespmem:v48+s4+$0x0], $0xffff  }
0xb5: {  	v5 =	vld.idx.msk [tilespmem:v5+s4+$0x0], $0xffff;
	[tilespmem:s26+$0xFFFFFFE0] =	vst v4  }
0xb6: {  	v3 =	vld.idx.msk [tilespmem:v3+s4+$0x0], $0xffff;
	[tilespmem:s29+$0xFFFFFF50] =	vst v10  }
0xb7: {  	[tilespmem:s29+$0xD0] =	vst v11;
	v4 =	vld.idx.msk [tilespmem:v53+s4+$0x0], $0xffff  }
0xb8: {  	v58 =	vadd.s32 v1, v7;
	[tilespmem:s29+$0x50] =	vst v6;
	v55 =	vld.idx.msk [tilespmem:v52+s4+$0x0], $0xffff  }
0xb9: {  	v56 =	vadd.s32 v1, v51;
	v59 =	vld.idx.msk [tilespmem:v30+s4+$0x0], $0xffff;
	[tilespmem:s29+$0xFFFFFFD0] =	vst v15  }
0xba: {  	[tilespmem:s26+$0x60] =	vst v5;
	v57 =	vld.idx.msk [tilespmem:v28+s4+$0x0], $0xffff  }
0xbb: {  	v60 =	vld.idx.msk [tilespmem:v12+s4+$0x0], $0xffff;
	[tilespmem:s26+$0xFFFFFFF0] =	vst v3  }
0xbc: {  	v2 =	vld.idx.msk [tilespmem:v2+s4+$0x0], $0xffff;
	[tilespmem:s29+$0xFFFFFF60] =	vst v4  }
0xbd: {  	[tilespmem:s29+$0xE0] =	vst v55;
	v62 =	vld.idx.msk [tilespmem:v58+s4+$0x0], $0xffff  }
0xbe: {  	[tilespmem:s29+$0x60] =	vst v59;
	v3 =	vld.idx.msk [tilespmem:v56+s4+$0x0], $0xffff  }
0xbf: {  	v63 =	vld.idx.msk [tilespmem:v9+s4+$0x0], $0xffff;
	[tilespmem:s29+$0xFFFFFFE0] =	vst v57  }
0xc0: {  	[tilespmem:s26+$0xFFFFFF70] =	vst v60;
	v61 =	vld.idx.msk [tilespmem:v17+s4+$0x0], $0xffff  }
0xc1: {  	[tilespmem:s26+$0x70] =	vst v2  }
0xc2: {  	[tilespmem:s29+$0xFFFFFF70] =	vst v62  }
0xc3: {  	s1 =	smul.u32 $0xC00, s25;
	[tilespmem:s29+$0xF0] =	vst v3  }
0xc4: {  	[tilespmem:s29+$0x70] =	vst v63  }
0xc5: {  	s1 =	sadd.s32 s6, s1;
	[tilespmem:s29+$0xFFFFFFF0] =	vst v61  }
0xc6: {  	[hbm4b:s1+s4] =	stream.linear.scatter [tilespmem:s21], [sflag:$0x2], $0x6000, $0x38;
	[tilespmem:$0x1A000] =	vst v63  }
.LBB2_6:
0xc7: {  	p1 =	sge.u32 s24, s9  }
.Ltmp6:
0xc8: {  	_ = 	snop;
	(pc) =	sbr.rel @p1 .LBB2_10-.Ltmp6, $1  }
0xc9: {  	_ =	sdelay $0x3  }
0xca: {  	s1 =	simm.s32 $0x0;
	s2 =	simm.s32 $0x4;
	s3 =	simm.s32 $0x8  }
0xcb: {  	v2 =	vmov s1;
	v3 =	vmov s2;
	s2 =	simm.s32 $0xC;
	v4 =	vmov s3  }
0xcc: {  	v5 =	vshll.u32 v2, $0x3;
	v6 =	vmov s2;
	v7 =	vshll.u32 v4, $0x3  }
0xcd: {  	s3 =	simm.s32 $0x5;
	v9 =	vshll.u32 v3, $0x3;
	v2 =	vand.u32 $0x70, v2;
	v4 =	vand.u32 $0x78, v4  }
0xce: {  	v10 =	vmov s3;
	v3 =	vand.u32 $0x74, v3;
	v8 =	vshll.u32 v6, $0x3  }
0xcf: {  	v7 =	vand.u32 $0x1C00, v7;
	v6 =	vand.u32 $0x7C, v6;
	v5 =	vand.u32 $0x1C00, v5  }
0xd0: {  	v9 =	vand.u32 $0x1C00, v9;
	v8 =	vand.u32 $0x1C00, v8;
	v2 =	vor.u32 v2, v5  }
0xd1: {  	v4 =	vor.u32 v4, v7;
	v3 =	vor.u32 v3, v9;
	v7 =	vshll.u32 v10, $0x3  }
0xd2: {  	v6 =	vor.u32 v6, v8;
	v11 =	vadd.s32 v1, v2;
	v8 =	vand.u32 $0x75, v10  }
0xd3: {  	s1 =	sadd.s32 $0x2, s24;
	s24 =	simm.s32 $0x9;
	v7 =	vand.u32 $0x7FFFFC00, v7;
	v9 =	vadd.s32 v0, v4;
	v10 =	vadd.s32 v0, v2  }
0xd4: {  	v2 =	vmov s24;
	v25 =	vadd.s32 v0, v3;
	v26 =	vadd.s32 v1, v4  }
0xd5: {  	s25 =	simm.s32 $0xD;
	p1 =	sgt.u32 s1, s9;
	v33 =	vadd.s32 v1, v3;
	v5 =	vadd.s32 v0, v6;
	v12 =	vor.u32 v8, v7  }
0xd6: {  	s1 =	sshll.u32 @!p1 s1, $0x5;
	v6 =	vadd.s32 v1, v6;
	v7 =	vmov s25;
	v8 =	vshll.u32 v2, $0x3  }
0xd7: {  	s1 =	sor.u32 @!p1 s5, s1;
	v2 =	vand.u32 $0x79, v2;
	s25 =	simm.s32 $0x1;
	v13 =	vshll.u32 v7, $0x3;
	v8 =	vand.u32 $0x7FFFFC00, v8  }
0xd8: {  	_ =	swait.ge [sflag:s17], $0x6000;
	s1 =	smul.u32 @!p1 $0x300, s1;
	v7 =	vand.u32 $0x7D, v7;
	v14 =	vmov s25;
	v21 =	vadd.s32 v0, v12  }
0xd9: {  	s26 =	simm.s32 $0xE;
	s31 =	simm.s32 $0xA;
	[sflag:s17] =	ssyncset.done $0x0;
	v12 =	vadd.s32 v1, v12;
	v13 =	vand.u32 $0x7FFFFC00, v13;
	v15 =	vor.u32 v2, v8  }
0xda: {  	[sflag:s17] =	ssyncadd.s32 $0xFFFFA000;
	s3 =	simm.s32 @!p1 $0x0;
	s1 =	sadd.s32 @!p1 s0, s1;
	v2 =	vshll.u32 v14, $0x3;
	v8 =	vand.u32 $0x71, v14;
	v14 =	vmov s31  }
0xdb: {  	[tilespmem:s3], [sflag:$0x1] =	stream.linear.gather @!p1 [hbm4b:s1+s3], $0x1800, $0x38;
	v7 =	vor.u32 v7, v13;
	v13 =	vmov s26;
	v2 =	vand.u32 $0x1C00, v2;
	[tilespmem:$0x1A000] =	vst v63  }
0xdc: {  	s24 =	simm.s32 @!p1 $0x1C00;
	s2 =	sadd.s32 @!p1 $0xF4280, s1;
	s26 =	simm.s32 $0x2;
	v23 =	vadd.s32 v0, v15;
	v32 =	vadd.s32 v1, v15;
	v16 =	vshll.u32 v13, $0x3  }
0xdd: {  	[tilespmem:s24], [sflag:$0x1] =	stream.linear.gather @!p1 [hbm4b:s2+s3], $0x1800, $0x38;
	v17 =	vor.u32 v8, v2;
	v2 =	vand.u32 $0x7E, v13;
	v13 =	vmov s26;
	[tilespmem:$0x1A000] =	vst v63  }
0xde: {  	s25 =	simm.s32 @!p1 $0x3800;
	v20 =	vadd.s32 v0, v7;
	s26 =	simm.s32 $0x3;
	v31 =	vadd.s32 v1, v7;
	v8 =	vand.u32 $0x7FFFFC00, v16  }
0xdf: {  	s2 =	sadd.s32 @!p1 $0x1E8500, s1;
	s1 =	sadd.s32 @!p1 $0x2DC780, s1;
	v16 =	vshll.u32 v14, $0x3;
	v24 =	vadd.s32 v0, v17;
	v4 =	vmov s26  }
0xe0: {  	v17 =	vadd.s32 v1, v17;
	[tilespmem:s25], [sflag:$0x1] =	stream.linear.gather @!p1 [hbm4b:s2+s3], $0x1800, $0x38;
	v18 =	vor.u32 v2, v8;
	v2 =	vshll.u32 v13, $0x3;
	[tilespmem:$0x1A000] =	vst v63  }
0xe1: {  	s31 =	simm.s32 $0x6;
	s2 =	simm.s32 @!p1 $0x5400;
	v8 =	vand.u32 $0x7A, v14;
	v14 =	vand.u32 $0x7FFFFC00, v16;
	v13 =	vand.u32 $0x72, v13;
	s25 =	simm.s32 $0xF  }
0xe2: {  	v16 =	vmov s31;
	v29 =	vand.u32 $0x73, v4;
	v4 =	vshll.u32 v4, $0x3;
	[tilespmem:s2], [sflag:$0x1] =	stream.linear.gather @!p1 [hbm4b:s1+s3], $0x1800, $0x38;
	[tilespmem:$0x1A000] =	vst v63  }
0xe3: {  	s24 =	simm.s32 $0xB;
	v2 =	vand.u32 $0x1C00, v2;
	v14 =	vor.u32 v8, v14;
	v28 =	vmov s25;
	p1 =	seq.s32 s23, $0x0  }
0xe4: {  	v19 =	vor.u32 v13, v2;
	v2 =	vshll.u32 v16, $0x3;
	v13 =	vmov s24;
	s1 =	simm.s32 @!p1 $0x2  }
0xe5: {  	v4 =	vand.u32 $0x1C00, v4;
	v22 =	vand.u32 $0x7FFFFC00, v2;
	v2 =	vshll.u32 v13, $0x3;
	_ =	swait.ge @!p1 [sflag:s1], $0x6000  }
0xe6: {  	s31 =	simm.s32 $0x7;
	v8 =	vadd.s32 v0, v14;
	s2 =	simm.s32 $0x1C;
	v13 =	vand.u32 $0x7B, v13;
	v2 =	vand.u32 $0x7FFFFC00, v2;
	[sflag:s1] =	ssyncset.done @!p1 $0x0  }
0xe7: {  	v35 =	vmov s2;
	v27 =	vor.u32 v13, v2;
	v13 =	vmov s31;
	[sflag:s1] =	ssyncadd.s32 @!p1 $0xFFFFA000  }
0xe8: {  	v2 =	vadd.s32 v1, v27;
	v30 =	vand.u32 $0x77, v13;
	v13 =	vshll.u32 v13, $0x3;
	v5 =	vld.idx.msk [tilespmem:v5+s18+$0x0], $0xffff  }
0xe9: {  	v7 =	vand.u32 $0x7FFFFC00, v13;
	v15 =	vld.idx.msk [tilespmem:v10+s18+$0x0], $0xffff;
	v13 =	vadd.s32 v1, v14;
	v10 =	vand.u32 $0x76, v16  }
0xea: {  	v16 =	vadd.s32 v0, v18;
	v3 =	vor.u32 v30, v7;
	v7 =	vor.u32 v29, v4  }
0xeb: {  	s26 =	simm.s32 $0x14;
	v29 =	vld.idx.msk [tilespmem:v9+s18+$0x0], $0xffff;
	v9 =	vadd.s32 v1, v19;
	v14 =	vor.u32 v10, v22;
	v19 =	vadd.s32 v0, v19  }
0xec: {  	s24 =	simm.s32 $0x141F0;
	v25 =	vld.idx.msk [tilespmem:v25+s18+$0x0], $0xffff;
	v22 =	vadd.s32 v1, v18;
	v18 =	vand.u32 $0x7F, v28;
	v30 =	vmov s26  }
0xed: {  	v28 =	vshll.u32 v28, $0x3;
	v4 =	vadd.s32 v0, v3;
	v3 =	vadd.s32 v1, v3;
	[tilespmem:s24+$0xFFFFFF90] =	vst v5  }
0xee: {  	v10 =	vadd.s32 v0, v14;
	v37 =	vshll.u32 v30, $0x3;
	v28 =	vand.u32 $0x7FFFFC00, v28;
	[tilespmem:s24+$0xFFFFFE10] =	vst v15;
	v6 =	vld.idx.msk [tilespmem:v6+s18+$0x0], $0xffff  }
0xef: {  	s25 =	simm.s32 $0x10;
	v30 =	vand.u32 $0x74, v30;
	v54 =	vand.u32 $0x1C00, v37;
	v39 =	vor.u32 v18, v28;
	v11 =	vld.idx.msk [tilespmem:v11+s18+$0x0], $0xffff  }
0xf0: {  	s3 =	simm.s32 $0x15;
	s31 =	simm.s32 $0x18;
	v60 =	vadd.s32 v0, v39;
	v5 =	vadd.s32 v0, v27;
	v27 =	vmov s25;
	[tilespmem:s24+$0xFFFFFF10] =	vst v29  }
0xf1: {  	v15 =	vadd.s32 v1, v14;
	v14 =	vmov s31;
	[tilespmem:s24+$0xFFFFFE90] =	vst v25;
	v25 =	vmov s3;
	v26 =	vld.idx.msk [tilespmem:v26+s18+$0x0], $0xffff  }
0xf2: {  	v34 =	vshll.u32 v27, $0x3;
	v36 =	vshll.u32 v14, $0x3;
	v29 =	vshll.u32 v35, $0x3  }
0xf3: {  	v27 =	vand.u32 $0x70, v27;
	v35 =	vand.u32 $0x7C, v35;
	v29 =	vand.u32 $0x1C00, v29;
	[tilespmem:s24+$0xFFFFFFA0] =	vst v6  }
0xf4: {  	v14 =	vand.u32 $0x78, v14;
	v34 =	vand.u32 $0x1C00, v34;
	v29 =	vor.u32 v35, v29;
	[tilespmem:s24+$0xFFFFFE20] =	vst v11;
	v11 =	vld.idx.msk [tilespmem:v33+s18+$0x0], $0xffff  }
0xf5: {  	v27 =	vor.u32 v27, v34;
	v35 =	vadd.s32 v0, v29;
	v6 =	vand.u32 $0x1C00, v36;
	v20 =	vld.idx.msk [tilespmem:v20+s18+$0x0], $0xffff  }
0xf6: {  	v56 =	vadd.s32 v1, v27;
	v24 =	vld.idx.msk [tilespmem:v24+s18+$0x0], $0xffff;
	v55 =	vor.u32 v14, v6;
	[tilespmem:s24+$0xFFFFFF20] =	vst v26;
	v6 =	vshll.u32 v25, $0x3  }
0xf7: {  	s25 =	simm.s32 $0x19;
	v29 =	vadd.s32 v1, v29;
	v14 =	vand.u32 $0x75, v25;
	v23 =	vld.idx.msk [tilespmem:v23+s18+$0x0], $0xffff;
	v6 =	vand.u32 $0x7FFFFC00, v6  }
0xf8: {  	v26 =	vor.u32 v30, v54;
	v57 =	vor.u32 v14, v6;
	v6 =	vmov s25  }
0xf9: {  	s26 =	simm.s32 $0x1D;
	v25 =	vadd.s32 v0, v55;
	v34 =	vadd.s32 v1, v55;
	v14 =	vshll.u32 v6, $0x3;
	[tilespmem:s24+$0xFFFFFEA0] =	vst v11  }
0xfa: {  	v6 =	vand.u32 $0x79, v6;
	v11 =	vmov s26;
	[tilespmem:s24+$0xFFFFFFB0] =	vst v20;
	v20 =	vadd.s32 v0, v27;
	v18 =	vld.idx.msk [tilespmem:v21+s18+$0x0], $0xffff  }
0xfb: {  	s31 =	simm.s32 $0x11;
	v14 =	vand.u32 $0x7FFFFC00, v14;
	[tilespmem:s24+$0xFFFFFE30] =	vst v24;
	v21 =	vshll.u32 v11, $0x3;
	v11 =	vand.u32 $0x7D, v11;
	v27 =	vld.idx.msk [tilespmem:v31+s18+$0x0], $0xffff  }
0xfc: {  	s26 =	simm.s32 $0x16;
	v24 =	vmov s31;
	v28 =	vor.u32 v6, v14;
	v17 =	vld.idx.msk [tilespmem:v17+s18+$0x0], $0xffff;
	v21 =	vand.u32 $0x7FFFFC00, v21;
	[tilespmem:s24+$0xFFFFFF30] =	vst v23  }
0xfd: {  	s2 =	simm.s32 $0x1E;
	v6 =	vshll.u32 v24, $0x3;
	v31 =	vmov s26;
	v23 =	vor.u32 v11, v21;
	v14 =	vld.idx.msk [tilespmem:v32+s18+$0x0], $0xffff  }
0xfe: {  	s3 =	simm.s32 $0x1A;
	v25 =	vld.idx.msk [tilespmem:v25+s18+$0x0], $0xffff;
	v11 =	vand.u32 $0x71, v24;
	v21 =	vmov s2;
	v6 =	vand.u32 $0x1C00, v6  }
0xff: {  	s25 =	simm.s32 $0x12;
	v24 =	vmov s3;
	v32 =	vadd.s32 v0, v7;
	v30 =	vor.u32 v11, v6;
	[tilespmem:s24+$0xFFFFFEB0] =	vst v18;
	v20 =	vld.idx.msk [tilespmem:v20+s18+$0x0], $0xffff  }
0x100: {  	v6 =	vand.u32 $0x7E, v21;
	v18 =	vmov s25;
	[tilespmem:s24+$0xFFFFFFC0] =	vst v27;
	v27 =	vshll.u32 v21, $0x3;
	v12 =	vld.idx.msk [tilespmem:v12+s18+$0x0], $0xffff  }
0x101: {  	s31 =	simm.s32 $0x1B;
	[tilespmem:s24+$0xFFFFFE40] =	vst v17;
	v17 =	vshll.u32 v24, $0x3;
	v21 =	vand.u32 $0x7A, v24;
	v16 =	vld.idx.msk [tilespmem:v16+s18+$0x0], $0xffff;
	v11 =	vand.u32 $0x7FFFFC00, v27  }
0x102: {  	s25 =	simm.s32 $0x143F0;
	v19 =	vld.idx.msk [tilespmem:v19+s18+$0x0], $0xffff;
	v17 =	vand.u32 $0x7FFFFC00, v17;
	[tilespmem:s24+$0xFFFFFF40] =	vst v14;
	v27 =	vmov s31;
	v14 =	vadd.s32 v0, v28  }
0x103: {  	[tilespmem:s25+$0xFFFFFF10] =	vst v25;
	v11 =	vor.u32 v6, v11;
	v6 =	vshll.u32 v18, $0x3;
	v18 =	vand.u32 $0x72, v18  }
0x104: {  	v58 =	vld.idx.msk [tilespmem:v35+s18+$0x0], $0xffff;
	v24 =	vor.u32 v21, v17;
	v17 =	vshll.u32 v31, $0x3;
	v59 =	vshll.u32 v27, $0x3;
	[tilespmem:s25+$0xFFFFFE10] =	vst v20  }
0x105: {  	v8 =	vld.idx.msk [tilespmem:v8+s18+$0x0], $0xffff;
	v21 =	vadd.s32 v0, v30;
	v6 =	vand.u32 $0x1C00, v6;
	[tilespmem:s24+$0xFFFFFEC0] =	vst v12;
	v12 =	vadd.s32 v0, v26  }
0x106: {  	v25 =	vand.u32 $0x7FFFFC00, v17;
	v18 =	vor.u32 v18, v6;
	v6 =	vadd.s32 v0, v24;
	v40 =	vld.idx.msk [tilespmem:v56+s18+$0x0], $0xffff;
	[tilespmem:s24+$0xFFFFFFD0] =	vst v16  }
0x107: {  	v20 =	vadd.s32 v0, v23;
	[tilespmem:s24+$0xFFFFFE50] =	vst v19;
	v10 =	vld.idx.msk [tilespmem:v10+s18+$0x0], $0xffff;
	v19 =	vand.u32 $0x7B, v27;
	v27 =	vand.u32 $0x7FFFFC00, v59  }
0x108: {  	s2 =	simm.s32 $0x13;
	s3 =	simm.s32 $0x17;
	v23 =	vadd.s32 v1, v23;
	v16 =	vadd.s32 v0, v57;
	v22 =	vld.idx.msk [tilespmem:v22+s18+$0x0], $0xffff;
	v61 =	vor.u32 v19, v27  }
0x109: {  	[tilespmem:s25+$0xFFFFFF90] =	vst v58;
	v38 =	vld.idx.msk [tilespmem:v9+s18+$0x0], $0xffff;
	v19 =	vmov s2;
	v27 =	vmov s3;
	v9 =	vadd.s32 v1, v61  }
0x10a: {  	[tilespmem:s24+$0xFFFFFF50] =	vst v8;
	v8 =	vand.u32 $0x73, v19;
	v19 =	vshll.u32 v19, $0x3;
	v62 =	vand.u32 $0x77, v27;
	v41 =	vld.idx.msk [tilespmem:v12+s18+$0x0], $0xffff  }
0x10b: {  	v12 =	vshll.u32 v27, $0x3;
	v27 =	vld.idx.msk [tilespmem:v29+s18+$0x0], $0xffff;
	v29 =	vadd.s32 v1, v26;
	v26 =	vadd.s32 v1, v30  }
0x10c: {  	v36 =	vld.idx.msk [tilespmem:v34+s18+$0x0], $0xffff;
	v30 =	vadd.s32 v0, v61;
	v63 =	vand.u32 $0x7FFFFC00, v12;
	v12 =	vadd.s32 v1, v7;
	[tilespmem:s24+$0xFFFFFED0] =	vst v10  }
0x10d: {  	v33 =	vld.idx.msk [tilespmem:v13+s18+$0x0], $0xffff;
	[tilespmem:s24+$0xFFFFFFE0] =	vst v22;
	v22 =	vand.u32 $0x1C00, v19;
	v19 =	vadd.s32 v1, v28;
	v10 =	vor.u32 v62, v63  }
0x10e: {  	[tilespmem:s25+$0xFFFFFE20] =	vst v40;
	v7 =	vor.u32 v8, v22;
	v28 =	vadd.s32 v0, v10;
	v17 =	vadd.s32 v1, v10  }
0x10f: {  	s31 =	simm.s32 $0x1F;
	[tilespmem:s24+$0xFFFFFE60] =	vst v38;
	v8 =	vadd.s32 v1, v24;
	v34 =	vld.idx.msk [tilespmem:v60+s18+$0x0], $0xffff;
	v10 =	vadd.s32 v1, v18;
	v24 =	vand.u32 $0x76, v31  }
0x110: {  	s29 =	simm.s32 $0x4;
	s26 =	sshll.u32 s23, $0x6;
	v35 =	vld.idx.msk [tilespmem:v15+s18+$0x0], $0xffff;
	v31 =	vmov s31;
	v22 =	vadd.s32 v1, v57;
	v37 =	vor.u32 v24, v25;
	[tilespmem:s25+$0xFFFFFE90] =	vst v41  }
0x111: {  	s30 =	simm.s32 $0x2F;
	s28 =	simm.s32 $0x143F0;
	s26 =	sor.u32 s5, s26;
	v24 =	vadd.s32 v1, v39;
	v15 =	vadd.s32 v0, v37;
	v38 =	vld.idx.msk [tilespmem:v29+s18+$0x0], $0xffff;
	v29 =	vadd.s32 v0, v11  }
.LBB2_8:
0x112: {  	s1 =	sadd.s32 $0xFFFFFFF1, s30;
	s2 =	sadd.s32 $0xFFFFFFF5, s30;
	s31 =	sadd.s32 $0xFFFFFFF9, s30;
	v18 =	vadd.s32 v0, v18;
	[tilespmem:s25+$0xFFFFFFA0] =	vst v27;
	v27 =	vadd.s32 v1, v11;
	v11 =	vand.u32 $0x7F, v31;
	v25 =	vld.idx.msk [tilespmem:v32+s18+$0x0], $0xffff  }
0x113: {  	s3 =	sadd.s32 $0xFFFFFFFE, s30;
	s29 =	sadd.s32 $0x4, s29;
	v13 =	vadd.s32 v1, v37;
	v32 =	vmov s1;
	v39 =	vmov s2;
	s1 =	sadd.s32 $0xFFFFFFFD, s30;
	[tilespmem:s25+$0xFFFFFF20] =	vst v36  }
0x114: {  	v37 =	vmov s31;
	p1 =	slt.u32 s29, $0xBC;
	v36 =	vshll.u32 v32, $0x3;
	v40 =	vmov s1;
	v20 =	vld.idx.msk [tilespmem:v20+s18+$0x0], $0xffff;
	[tilespmem:s24+$0xFFFFFFF0] =	vst v34  }
0x115: {  	v31 =	vshll.u32 v31, $0x3;
	s1 =	sadd.s32 $0xFFFFFFF6, s30;
	v34 =	vshll.u32 v37, $0x3;
	v41 =	vshll.u32 v40, $0x3;
	v21 =	vld.idx.msk [tilespmem:v21+s18+$0x0], $0xffff;
	[tilespmem:s24+$0xFFFFFEE0] =	vst v35  }
0x116: {  	v31 =	vand.u32 $0x7FFFFC00, v31;
	v35 =	vshll.u32 v39, $0x3;
	v34 =	vand.u32 $0x1C00, v34;
	v42 =	vld.idx.msk [tilespmem:v4+s18+$0x0], $0xffff;
	[tilespmem:s24+$0xFFFFFF60] =	vst v33;
	v4 =	vmovc v28  }
0x117: {  	v28 =	vand.u32 $0x70, v32;
	v32 =	vand.u32 $0x78, v37;
	v33 =	vand.u32 $0x7C, v40;
	[tilespmem:s25+$0xFFFFFEA0] =	vst v38;
	v37 =	vld.idx.msk [tilespmem:v5+s18+$0x0], $0xffff;
	v5 =	vmovc v30  }
0x118: {  	v30 =	vand.u32 $0x1C00, v36;
	v36 =	vmov s1;
	v38 =	vand.u32 $0x1C00, v41;
	v16 =	vld.idx.msk [tilespmem:v16+s18+$0x0], $0xffff;
	[tilespmem:s24+$0xFFFFFE70] =	vst v25  }
0x119: {  	v35 =	vand.u32 $0x1C00, v35;
	v25 =	vand.u32 $0x74, v39;
	v33 =	vor.u32 v33, v38;
	v14 =	vld.idx.msk [tilespmem:v14+s18+$0x0], $0xffff  }
0x11a: {  	v32 =	vor.u32 v32, v34;
	v30 =	vor.u32 v28, v30;
	v34 =	vadd.s32 v0, v33;
	[tilespmem:s25+$0xFFFFFFB0] =	vst v20  }
0x11b: {  	v38 =	vadd.s32 v1, v30;
	v28 =	vor.u32 v25, v35;
	v20 =	vshll.u32 v36, $0x3;
	[tilespmem:s25+$0xFFFFFE30] =	vst v21;
	v21 =	vld.idx.msk [tilespmem:v23+s18+$0x0], $0xffff  }
0x11c: {  	v35 =	vadd.s32 v0, v32;
	v23 =	vand.u32 $0x75, v36;
	v20 =	vand.u32 $0x7FFFFC00, v20;
	[tilespmem:s24+$0xFFFFFEF0] =	vst v42;
	v36 =	vld.idx.msk [tilespmem:v24+s18+$0x0], $0xffff  }
0x11d: {  	s1 =	sadd.s32 $0xFFFFFFFA, s30;
	v30 =	vadd.s32 v0, v30;
	v33 =	vadd.s32 v1, v33;
	v24 =	vor.u32 v23, v20;
	v20 =	vld.idx.msk [tilespmem:v3+s18+$0x0], $0xffff  }
0x11e: {  	v39 =	vmov s3;
	v25 =	vor.u32 v11, v31;
	v23 =	vmov s1;
	v3 =	vmovc v17;
	v26 =	vld.idx.msk [tilespmem:v26+s18+$0x0], $0xffff;
	[tilespmem:s25+$0xFFFFFEB0] =	vst v16  }
0x11f: {  	v11 =	vand.u32 $0x79, v23;
	v17 =	vshll.u32 v39, $0x3;
	v16 =	vshll.u32 v23, $0x3;
	[tilespmem:s25+$0xFFFFFF30] =	vst v14;
	v12 =	vld.idx.msk [tilespmem:v12+s18+$0x0], $0xffff  }
0x120: {  	s1 =	sadd.s32 $0xFFFFFFF2, s30;
	v17 =	vand.u32 $0x7FFFFC00, v17;
	v14 =	vand.u32 $0x7FFFFC00, v16;
	v16 =	vand.u32 $0x7D, v39;
	v19 =	vld.idx.msk [tilespmem:v19+s18+$0x0], $0xffff;
	[tilespmem:s24+$0xFFFFFF70] =	vst v37  }
0x121: {  	v23 =	vmov s1;
	s1 =	sadd.s32 $0xFFFFFFFF, s30;
	v37 =	vor.u32 v11, v14;
	v17 =	vor.u32 v16, v17;
	[tilespmem:s25+$0xFFFFFFC0] =	vst v21;
	v14 =	vld.idx.msk [tilespmem:v2+s18+$0x0], $0xffff;
	v2 =	vmovc v9  }
0x122: {  	s2 =	sadd.s32 $0xFFFFFFFB, s30;
	v11 =	vshll.u32 v23, $0x3;
	v16 =	vmov s1;
	v9 =	vand.u32 $0x71, v23;
	v21 =	vld.idx.msk [tilespmem:v29+s18+$0x0], $0xffff;
	[tilespmem:s24+$0x0] =	vst v36  }
0x123: {  	v11 =	vand.u32 $0x1C00, v11;
	v29 =	vmov s2;
	v23 =	vld.idx.msk [tilespmem:v30+s18+$0x0], $0xffff;
	v30 =	vshll.u32 v16, $0x3;
	[tilespmem:s24+$0xFFFFFF00] =	vst v20  }
0x124: {  	s1 =	sadd.s32 $0xFFFFFFF3, s30;
	s25 =	sadd.s32 $0x200, s25;
	v36 =	vor.u32 v9, v11;
	v9 =	vand.u32 $0x7E, v16;
	v11 =	vand.u32 $0x7FFFFC00, v30;
	[tilespmem:s28+$0xFFFFFE40] =	vst v26;
	v22 =	vld.idx.msk [tilespmem:v22+s18+$0x0], $0xffff  }
0x125: {  	v16 =	vmov s1;
	v20 =	vshll.u32 v29, $0x3;
	v11 =	vor.u32 v9, v11;
	v9 =	vld.idx.msk [tilespmem:v18+s18+$0x0], $0xffff;
	[tilespmem:s24+$0xFFFFFE80] =	vst v12  }
0x126: {  	v20 =	vand.u32 $0x7FFFFC00, v20;
	v12 =	vshll.u32 v16, $0x3;
	v18 =	vand.u32 $0x7A, v29;
	[tilespmem:s28+$0xFFFFFF40] =	vst v19  }
0x127: {  	s1 =	sadd.s32 $0xFFFFFFF7, s30;
	v16 =	vand.u32 $0x72, v16;
	v12 =	vand.u32 $0x1C00, v12;
	v29 =	vor.u32 v18, v20;
	[tilespmem:s24+$0xFFFFFF80] =	vst v14;
	s24 =	smov.u32 s28;
	s28 =	smov.u32 s25  }
0x128: {  	v30 =	vmov s1;
	s1 =	sadd.s32 $0xFFFFFFFC, s30;
	v18 =	vor.u32 v16, v12;
	v12 =	vld.idx.msk [tilespmem:v6+s18+$0x0], $0xffff;
	v6 =	vadd.s32 v0, v29;
	[tilespmem:s24+$0xFFFFFFD0] =	vst v21  }
0x129: {  	v19 =	vmov s1;
	v20 =	vadd.s32 v0, v17;
	v14 =	vshll.u32 v30, $0x3;
	[tilespmem:s25+$0xFFFFFE10] =	vst v23;
	v23 =	vld.idx.msk [tilespmem:v27+s18+$0x0], $0xffff  }
0x12a: {  	v16 =	vadd.s32 v0, v24;
	v39 =	vand.u32 $0x7FFFFC00, v14;
	v14 =	vadd.s32 v0, v37;
	v26 =	vld.idx.msk [tilespmem:v34+s18+$0x0], $0xffff;
	[tilespmem:s24+$0xFFFFFEC0] =	vst v22  }
0x12b: {  	v21 =	vadd.s32 v0, v36;
	v27 =	vshll.u32 v19, $0x3;
	v22 =	vadd.s32 v0, v28;
	[tilespmem:s24+$0xFFFFFE50] =	vst v9;
	v15 =	vld.idx.msk [tilespmem:v15+s18+$0x0], $0xffff  }
0x12c: {  	v9 =	vand.u32 $0x7B, v19;
	v19 =	vand.u32 $0x7FFFFC00, v27;
	v34 =	vld.idx.msk [tilespmem:v35+s18+$0x0], $0xffff;
	v35 =	vadd.s32 v0, v25  }
0x12d: {  	v40 =	vadd.s32 v1, v32;
	v31 =	vmov s30;
	s2 =	sadd.s32 $0xFFFFFFF8, s30;
	s1 =	sadd.s32 $0xFFFFFFF4, s30;
	v41 =	vor.u32 v9, v19;
	v10 =	vld.idx.msk [tilespmem:v10+s18+$0x0], $0xffff  }
0x12e: {  	v27 =	vmov s2;
	v19 =	vmov s1;
	v9 =	vadd.s32 v1, v41;
	[tilespmem:s24+$0xFFFFFF50] =	vst v12  }
0x12f: {  	v32 =	vand.u32 $0x77, v27;
	v42 =	vand.u32 $0x73, v19;
	v12 =	vshll.u32 v19, $0x3;
	v38 =	vld.idx.msk [tilespmem:v38+s18+$0x0], $0xffff;
	[tilespmem:s24+$0xFFFFFFE0] =	vst v23  }
0x130: {  	v43 =	vand.u32 $0x1C00, v12;
	v12 =	vshll.u32 v27, $0x3;
	v23 =	vadd.s32 v1, v17;
	v22 =	vld.idx.msk [tilespmem:v22+s18+$0x0], $0xffff;
	[tilespmem:s25+$0xFFFFFF90] =	vst v26  }
0x131: {  	v19 =	vadd.s32 v1, v37;
	v17 =	vand.u32 $0x7FFFFC00, v12;
	v12 =	vadd.s32 v1, v7;
	v27 =	vld.idx.msk [tilespmem:v33+s18+$0x0], $0xffff;
	[tilespmem:s24+$0xFFFFFED0] =	vst v15  }
0x132: {  	v15 =	vadd.s32 v1, v28;
	v17 =	vor.u32 v32, v17;
	v32 =	vadd.s32 v0, v7;
	[tilespmem:s25+$0xFFFFFF10] =	vst v34  }
.Ltmp7:
0x133: {  	v26 =	vadd.s32 v1, v36;
	v7 =	vor.u32 v42, v43;
	v28 =	vadd.s32 v0, v17;
	v36 =	vld.idx.msk [tilespmem:v40+s18+$0x0], $0xffff;
	(pc) =	sbr.rel @p1 .LBB2_8-.Ltmp7, $4  }
0x134: {  	v29 =	vadd.s32 v1, v29;
	v17 =	vadd.s32 v1, v17;
	[tilespmem:s24+$0xFFFFFE60] =	vst v10;
	v34 =	vld.idx.msk [tilespmem:v35+s18+$0x0], $0xffff  }
0x135: {  	v33 =	vand.u32 $0x76, v30;
	v30 =	vadd.s32 v0, v41;
	v10 =	vadd.s32 v1, v18;
	[tilespmem:s25+$0xFFFFFE20] =	vst v38;
	v35 =	vld.idx.msk [tilespmem:v13+s18+$0x0], $0xffff  }
0x136: {  	v37 =	vor.u32 v33, v39;
	[tilespmem:s25+$0xFFFFFE90] =	vst v22;
	v22 =	vadd.s32 v1, v24;
	v33 =	vld.idx.msk [tilespmem:v8+s18+$0x0], $0xffff;
	v8 =	vmov v29  }
0x137: {  	s30 =	sadd.s32 $0x10, s30;
	v29 =	vadd.s32 v0, v11;
	v24 =	vadd.s32 v1, v25;
	v38 =	vld.idx.msk [tilespmem:v15+s18+$0x0], $0xffff;
	v15 =	vadd.s32 v0, v37  }
0x138: {  	_ =	sdelay $0x3  }
0x139: {  	[tilespmem:s25+$0xFFFFFFA0] =	vst v27;
	v44 =	vld.idx.msk [tilespmem:v21+s18+$0x0], $0xffff  }
0x13a: {  	[tilespmem:s25+$0xFFFFFF20] =	vst v36;
	v13 =	vld.idx.msk [tilespmem:v20+s18+$0x0], $0xffff  }
0x13b: {  	v14 =	vld.idx.msk [tilespmem:v14+s18+$0x0], $0xffff;
	[tilespmem:s25+$0xFFFFFEA0] =	vst v38  }
0x13c: {  	v16 =	vld.idx.msk [tilespmem:v16+s18+$0x0], $0xffff;
	_ =	sdelay $0x1  }
0x13d: {  	[tilespmem:s25+$0xFFFFFE30] =	vst v44  }
0x13e: {  	[tilespmem:s25+$0xFFFFFFB0] =	vst v13;
	v20 =	vld.idx.msk [tilespmem:v26+s18+$0x0], $0xffff  }
0x13f: {  	v45 =	vadd.s32 v0, v18;
	[tilespmem:s25+$0xFFFFFF30] =	vst v14;
	v13 =	vld.idx.msk [tilespmem:v23+s18+$0x0], $0xffff  }
0x140: {  	v46 =	vld.idx.msk [tilespmem:v19+s18+$0x0], $0xffff;
	[tilespmem:s25+$0xFFFFFEB0] =	vst v16  }
0x141: {  	[tilespmem:s24+$0xFFFFFFF0] =	vst v34;
	v16 =	vld.idx.msk [tilespmem:v22+s18+$0x0], $0xffff  }
0x142: {  	[tilespmem:s24+$0xFFFFFEE0] =	vst v35  }
0x143: {  	v47 =	vld.idx.msk [tilespmem:v32+s18+$0x0], $0xffff;
	[tilespmem:s28+$0xFFFFFE40] =	vst v20  }
0x144: {  	[tilespmem:s25+$0xFFFFFFC0] =	vst v13;
	v14 =	vld.idx.msk [tilespmem:v45+s18+$0x0], $0xffff  }
0x145: {  	[tilespmem:s28+$0xFFFFFF40] =	vst v46;
	v13 =	vld.idx.msk [tilespmem:v29+s18+$0x0], $0xffff  }
0x146: {  	v11 =	vadd.s32 v1, v11;
	v6 =	vld.idx.msk [tilespmem:v6+s18+$0x0], $0xffff;
	[tilespmem:s28+$0xFFFFFEC0] =	vst v16  }
0x147: {  	[tilespmem:s24+$0xFFFFFF60] =	vst v33;
	v15 =	vld.idx.msk [tilespmem:v15+s18+$0x0], $0xffff  }
0x148: {  	v48 =	vadd.s32 v1, v37;
	v54 =	vld.idx.msk [tilespmem:v24+s18+$0x0], $0xffff;
	[tilespmem:s24+$0xFFFFFE70] =	vst v47  }
0x149: {  	v49 =	vshll.u32 v31, $0x3;
	v4 =	vld.idx.msk [tilespmem:v4+s18+$0x0], $0xffff;
	[tilespmem:s28+$0xFFFFFE50] =	vst v14  }
0x14a: {  	v50 =	vand.u32 $0x7F, v31;
	v18 =	vand.u32 $0x7FFFFC00, v49;
	[tilespmem:s28+$0xFFFFFFD0] =	vst v13;
	v10 =	vld.idx.msk [tilespmem:v10+s18+$0x0], $0xffff  }
0x14b: {  	v53 =	vadd.s32 v0, v7;
	v51 =	vor.u32 v50, v18;
	[tilespmem:s28+$0xFFFFFF50] =	vst v6;
	v11 =	vld.idx.msk [tilespmem:v11+s18+$0x0], $0xffff  }
0x14c: {  	v52 =	vadd.s32 v0, v51;
	v6 =	vld.idx.msk [tilespmem:v8+s18+$0x0], $0xffff;
	[tilespmem:s28+$0xFFFFFED0] =	vst v15  }
0x14d: {  	[tilespmem:s24+$0x0] =	vst v54;
	v15 =	vld.idx.msk [tilespmem:v48+s18+$0x0], $0xffff  }
0x14e: {  	v5 =	vld.idx.msk [tilespmem:v5+s18+$0x0], $0xffff;
	[tilespmem:s24+$0xFFFFFEF0] =	vst v4  }
0x14f: {  	v3 =	vld.idx.msk [tilespmem:v3+s18+$0x0], $0xffff;
	[tilespmem:s28+$0xFFFFFE60] =	vst v10  }
0x150: {  	[tilespmem:s28+$0xFFFFFFE0] =	vst v11;
	v4 =	vld.idx.msk [tilespmem:v53+s18+$0x0], $0xffff  }
0x151: {  	v58 =	vadd.s32 v1, v7;
	[tilespmem:s28+$0xFFFFFF60] =	vst v6;
	v55 =	vld.idx.msk [tilespmem:v52+s18+$0x0], $0xffff  }
0x152: {  	v56 =	vadd.s32 v1, v51;
	v59 =	vld.idx.msk [tilespmem:v30+s18+$0x0], $0xffff;
	[tilespmem:s28+$0xFFFFFEE0] =	vst v15  }
0x153: {  	[tilespmem:s24+$0xFFFFFF70] =	vst v5;
	v57 =	vld.idx.msk [tilespmem:v28+s18+$0x0], $0xffff  }
0x154: {  	v60 =	vld.idx.msk [tilespmem:v12+s18+$0x0], $0xffff;
	[tilespmem:s24+$0xFFFFFF00] =	vst v3  }
0x155: {  	v2 =	vld.idx.msk [tilespmem:v2+s18+$0x0], $0xffff;
	[tilespmem:s28+$0xFFFFFE70] =	vst v4  }
0x156: {  	[tilespmem:s28+$0xFFFFFFF0] =	vst v55;
	v62 =	vld.idx.msk [tilespmem:v58+s18+$0x0], $0xffff  }
0x157: {  	[tilespmem:s28+$0xFFFFFF70] =	vst v59;
	v3 =	vld.idx.msk [tilespmem:v56+s18+$0x0], $0xffff  }
0x158: {  	v63 =	vld.idx.msk [tilespmem:v9+s18+$0x0], $0xffff;
	[tilespmem:s28+$0xFFFFFEF0] =	vst v57  }
0x159: {  	[tilespmem:s24+$0xFFFFFE80] =	vst v60;
	v61 =	vld.idx.msk [tilespmem:v17+s18+$0x0], $0xffff  }
0x15a: {  	s1 =	smul.u32 $0x6000, s26;
	[tilespmem:s24+$0xFFFFFF80] =	vst v2  }
.Ltmp8:
0x15b: {  	[tilespmem:s28+$0xFFFFFE80] =	vst v62;
	(pc) =	sbr.rel .LBB2_10-.Ltmp8, $4  }
0x15c: {  	s1 =	sshrl.u32 s1, $0x3;
	[tilespmem:s28+$0x0] =	vst v3  }
0x15d: {  	s1 =	sadd.s32 s6, s1;
	[tilespmem:s28+$0xFFFFFF80] =	vst v63  }
0x15e: {  	s1 =	sadd.s32 $0x18000, s1;
	[tilespmem:s28+$0xFFFFFF00] =	vst v61  }
0x15f: {  	[hbm4b:s1+s4] =	stream.linear.scatter [tilespmem:s19], [sflag:$0x2], $0x6000, $0x38;
	[tilespmem:$0x1A000] =	vst v63  }
.LBB2_12:
0x160: {  	_ =	sfence.sel $0x180000  }
0x161: {  	[bflag:$0x0] =	sbarrier.arrive $0xFFFF  }
0x162: {  	_ =	strace $0x90000047  }
0x163: {  	s0 =	stileid.u32;
	[bflag:$0x2] =	sbarrier.arrive $0xFFFF  }
0x164: {  	p0 =	sne.s32 s0, $0x0;
	s0 =	rddreg [dreg:$0x3]  }
0x165: {  	s0 =	sadd.s32 @!p0 $0x100000, s0  }
0x166: {  	[sflag:s0] =	ssyncadd.tile.s32 @!p0 $0x1;
	_ =	shalt  }
.Lfunc_end2:
_tile_overlayer_lowered:
.L_overlay_start_2:
0x167: {  	(tag) =	ssettag $0x2  }
0x168: {  	s0 =	rddreg [dreg:$0x0];
	s2 =	stileid.u32  }
0x169: {  	s1 =	rddreg [dreg:$0x1];
	p0 =	sne.s32 s2, $0x0  }
0x16a: {  	s3 =	rddreg [dreg:$0x2];
	[bflag:$0x3] =	sbarrier.arrive $0xFFFF;
	s2 =	simm.s32 @!p0 $0x1C03  }
0x16b: {  	[timem:s3], [sflag:s2] =	dma.local @!p0 [hbm:s0], s1  }
0x16c: {  	s0 =	simm.s32 @!p0 $0x3  }
0x16d: {  	_ =	swait.ge @!p0 [sflag:s0], s1  }
0x16e: {  	s1 =	ssub.s32 @!p0 $0x0, s1;
	[sflag:s0] =	ssyncset.done @!p0 $0x0  }
0x16f: {  	[sflag:s0] =	ssyncadd.s32 @!p0 s1  }
0x170: {  	[bflag:$0x3] =	sbarrier.arrive $0xFFFF  }
0x171: {  	_ =	shalt  }

// kernel: kernel.8.cloned.1.call-start
scs
__scs_entry_jumppad:
0x0: {  	(pc) =	sbr.rel $0x88, $3  }
0x1: {  	(tag) =	ssettag $0x0;
	lr =	simm.s32 $0x1  }
0x2: {  	[smem:$0x3F9B] =	sst lr;
	_ =	strace $0xD0000000  }
0x3: {  	_ = 	snop  }
0x4: {  	_ = 	snop  }
0x5: {  	_ = 	snop  }
0x6: {  	_ = 	snop  }
0x7: {  	_ = 	snop  }
__scs_overlays_trampoline_lowered:
0x8: {  	[smem:$0x3FAA] =	sst s0  }
0x9: {  	[smem:$0x3FAB] =	sst s1  }
0xa: {  	[smem:$0x3FAC] =	sst s2  }
0xb: {  	[smem:$0x3FAD] =	sst s3  }
0xc: {  	[smem:$0x3FAE] =	sst s4  }
0xd: {  	[smem:$0x3FAF] =	sst s5  }
0xe: {  	[smem:$0x3FB0] =	sst s6  }
0xf: {  	[smem:$0x3FB1] =	sst s7  }
0x10: {  	[smem:$0x3FB2] =	sst s8  }
0x11: {  	[smem:$0x3FB3] =	sst s9;
	s0 =	simm.s32 @!p0 $0x0  }
0x12: {  	s1 =	sld [smem:$0x3F99];
	s0 =	simm.s32 @p0 $0x1  }
0x13: {  	[smem:$0x3FB4] =	sst s0;
	s0 =	simm.s32 @!p1 $0x0  }
0x14: {  	s2 =	sld [smem:$0x3F98];
	s0 =	simm.s32 @p1 $0x1  }
0x15: {  	[smem:$0x3FB5] =	sst s0;
	s0 =	simm.s32 @!p2 $0x0  }
0x16: {  	s3 =	sld [smem:$0x3FDB];
	s0 =	simm.s32 @p2 $0x1  }
0x17: {  	s4 =	simm.s32 $0x1BF5;
	[smem:$0x3FB7] =	sst s0  }
0x18: {  	s0 =	sld [smem:$0x3F9A];
	_ =	swait.ge [sflag:s4], $0x0  }
0x19: {  	s7 =	sld [smem:$0x3F9B]  }
0x1a: {  	s8 =	sadd.s32 $0xFFFFE003, lr  }
0x1b: {  	s9 =	sadd.s32 $0xFFFFFEF7, lr;
	s5 =	simm.s32 $0xFFFFFFFF;
	p2 =	slt.u32 s8, $0xFFFFF086  }
0x1c: {  	p1 =	slt.u32 s9, $0xF7A;
	s5 =	simm.s32 @!p2 $0x0  }
0x1d: {  	s5 =	simm.s32 @p1 $0x1;
	p0 =	seq.s32 s7, s2  }
0x1e: {  	s7 =	smul.u32 @!p0 $0xF7A, s2;
	p2 =	seq.s32 @!p0 s5, $0x0  }
0x1f: {  	s9 =	smul.u32 $0xF7A, s1;
	s8 =	simm.s32 @!p0 $0x1BF5;
	p2 =	por !p2, p0  }
0x20: {  	[sflag:s8] =	ssyncset.s32 @!p0 $0xFFFFF086;
	s6 =	sadd.s32 @!p0 s3, s7;
	s7 =	simm.s32 @!p0 $0x108  }
0x21: {  	s3 =	sadd.s32 s3, s9;
	s6 =	sadd.s32 @!p0 $0x88, s6;
	s7 =	simm.s32 @p2 $0x1082  }
0x22: {  	[simem:s7], [sflag:s8] =	dma.local @!p0 [hbm:s6], $0xF7A  }
0x23: {  	s9 =	sor.u32 $0xD0000000, s2;
	s6 =	simm.s32 $0x108;
	_ =	swait.ge @!p0 [sflag:s8], $0x0  }
0x24: {  	s3 =	sadd.s32 $0x88, s3;
	s6 =	simm.s32 @!p1 $0x1082;
	[sflag:s4] =	ssyncset.s32 $0xFFFFF086  }
0x25: {  	[simem:s6], [sflag:s4] =	dma.local [hbm:s3], $0xF7A  }
0x26: {  	[smem:$0x3F9B] =	sst s1;
	(tag) =	ssettag s2;
	_ =	strace s9  }
0x27: {  	s1 =	sld [smem:$0x3FAB]  }
0x28: {  	s2 =	sld [smem:$0x3FAC]  }
0x29: {  	s4 =	sld [smem:$0x3FAE]  }
0x2a: {  	p0 =	seq.s32 s5, $0x0;
	s5 =	sld [smem:$0x3FAF]  }
0x2b: {  	s6 =	sld [smem:$0x3FB0]  }
0x2c: {  	s7 =	sld [smem:$0x3FB1]  }
0x2d: {  	s3 =	simm.s32 $0x108;
	s8 =	sld [smem:$0x3FB2]  }
0x2e: {  	s3 =	simm.s32 @!p0 $0x1082;
	s9 =	sld [smem:$0x3FB3]  }
0x2f: {  	lr =	sadd.s32 s0, s3;
	s0 =	sld [smem:$0x3FAA]  }
0x30: {  	s3 =	sld [smem:$0x3FAD]  }
0x31: {  	[smem:$0x3FB6] =	sst s10  }
0x32: {  	s10 =	sld [smem:$0x3FB4];
	_ =	sdelay $0x3  }
0x33: {  	p0 =	seq.s32 s10, $0x1;
	s10 =	sld [smem:$0x3FB6];
	_ =	sdelay $0x3  }
0x34: {  	[smem:$0x3FB6] =	sst s10  }
0x35: {  	s10 =	sld [smem:$0x3FB5];
	_ =	sdelay $0x3  }
0x36: {  	p1 =	seq.s32 s10, $0x1;
	s10 =	sld [smem:$0x3FB6];
	_ =	sdelay $0x3  }
0x37: {  	[smem:$0x3FB6] =	sst s10  }
0x38: {  	s10 =	sld [smem:$0x3FB7]  }
0x39: {  	_ = 	snop;
	(pc) =	sbr.ind lr, $3  }
0x3a: {  	_ = 	snop  }
0x3b: {  	_ = 	snop  }
0x3c: {  	p2 =	seq.s32 s10, $0x1;
	s10 =	sld [smem:$0x3FB6]  }
0x3d: {  	_ =	shalt  }
0x3e: {  	_ =	shalt  }
0x3f: {  	_ =	shalt  }
0x40: {  	_ =	shalt  }
0x41: {  	_ =	shalt  }
0x42: {  	_ =	shalt  }
0x43: {  	_ =	shalt  }
0x44: {  	_ =	shalt  }
0x45: {  	_ =	shalt  }
0x46: {  	_ =	shalt  }
0x47: {  	_ =	shalt  }
0x48: {  	_ =	shalt  }
0x49: {  	_ =	shalt  }
0x4a: {  	_ =	shalt  }
0x4b: {  	_ =	shalt  }
0x4c: {  	_ =	shalt  }
0x4d: {  	_ =	shalt  }
0x4e: {  	_ =	shalt  }
0x4f: {  	_ =	shalt  }
0x50: {  	_ =	shalt  }
0x51: {  	_ =	shalt  }
0x52: {  	_ =	shalt  }
0x53: {  	_ =	shalt  }
0x54: {  	_ =	shalt  }
0x55: {  	_ =	shalt  }
0x56: {  	_ =	shalt  }
0x57: {  	_ =	shalt  }
0x58: {  	_ =	shalt  }
0x59: {  	_ =	shalt  }
0x5a: {  	_ =	shalt  }
0x5b: {  	_ =	shalt  }
0x5c: {  	_ =	shalt  }
0x5d: {  	_ =	shalt  }
0x5e: {  	_ =	shalt  }
0x5f: {  	_ =	shalt  }
0x60: {  	_ =	shalt  }
0x61: {  	_ =	shalt  }
0x62: {  	_ =	shalt  }
0x63: {  	_ =	shalt  }
0x64: {  	_ =	shalt  }
0x65: {  	_ =	shalt  }
0x66: {  	_ =	shalt  }
0x67: {  	_ =	shalt  }
0x68: {  	_ =	shalt  }
0x69: {  	_ =	shalt  }
0x6a: {  	_ =	shalt  }
0x6b: {  	_ =	shalt  }
0x6c: {  	_ =	shalt  }
0x6d: {  	_ =	shalt  }
0x6e: {  	_ =	shalt  }
0x6f: {  	_ =	shalt  }
0x70: {  	_ =	shalt  }
0x71: {  	_ =	shalt  }
0x72: {  	_ =	shalt  }
0x73: {  	_ =	shalt  }
0x74: {  	_ =	shalt  }
0x75: {  	_ =	shalt  }
0x76: {  	_ =	shalt  }
0x77: {  	_ =	shalt  }
0x78: {  	_ =	shalt  }
0x79: {  	_ =	shalt  }
0x7a: {  	_ =	shalt  }
0x7b: {  	_ =	shalt  }
0x7c: {  	_ =	shalt  }
0x7d: {  	_ =	shalt  }
0x7e: {  	_ =	shalt  }
0x7f: {  	_ =	shalt  }
0x80: {  	_ =	shalt  }
0x81: {  	_ =	shalt  }
0x82: {  	_ =	shalt  }
0x83: {  	_ =	shalt  }
0x84: {  	_ =	shalt  }
0x85: {  	_ =	shalt  }
0x86: {  	_ =	shalt  }
0x87: {  	_ =	shalt  }
.Lfunc_end0:
.L_simem_size_0:
called_computation.1_lowered:
.L_overlay_start_0:
0x88: {  	s2 =	sld [smem:$0x3FD9]  }
0x89: {  	s3 =	sld [smem:$0x3FFE];
	_ =	sdelay $0x1  }
0x8a: {  	s1 =	srdreg.scid  }
0x8b: {  	s0 =	sand.u32 $0x1, s1  }
0x8c: {  	s16 =	sshll.u32 s0, $0xA;
	s2 =	sadd.s32 s3, s2  }
0x8d: {  	s2 =	sadd.s32 s2, s16  }
0x8e: {  	[smem:$0x3FC2] =	sst s2  }
0x8f: {  	_ = 	snop  }
0x90: {  	(tm) =	ssettm $0x1  }
0x91: {  	s17 =	sld [smem:$0x3FFB];
	_ =	sdelay $0x3  }
0x92: {  	_ =	strace s17  }
0x93: {  	s2 =	sld [smem:$0x3FFC];
	_ =	sdelay $0x3  }
0x94: {  	_ =	strace s2  }
0x95: {  	s2 =	sld [smem:$0x3FFD];
	_ =	sdelay $0x3  }
0x96: {  	_ =	strace s2  }
0x97: {  	_ =	strace $0x8FFFFFFF  }
0x98: {  	s18 =	sld [smem:$0x3FDB];
	_ =	sdelay $0x1  }
0x99: {  	s19 =	simm.s32 $_scs_section_size  }
0x9a: {  	s4 =	simm.s32 $_size__tile_overlayer_lowered;
	s5 =	simm.s32 $_tile_overlayer_lowered  }
0x9b: {  	s22 =	simm.s32 $0x1BFF;
	s21 =	sshll.u32 s5, $0x1;
	s2 =	sadd.s32 s19, s18  }
0x9c: {  	s6 =	simm.s32 $0x0;
	s20 =	sshll.u32 s4, $0x1;
	s4 =	sadd.s32 s21, s2  }
0x9d: {  	[timem:s6], [sflag:s22] =	dma.local [hbm:s4], s20  }
0x9e: {  	_ =	swait.ge [sflag:s22], s20  }
0x9f: {  	s3 =	ssub.s32 $0x0, s20;
	[sflag:s22] =	ssyncset.done $0x0  }
0xa0: {  	[sflag:s22] =	ssyncadd.s32 s3;
	_ =	sdelay $0x1  }
0xa1: {  	s23 =	simm.s32 $0x1B8B  }
0xa2: {  	_ =	swait.ge [sflag:s23], $0x1  }
0xa3: {  	[sflag:s23] =	ssyncset.done $0x0  }
0xa4: {  	s25 =	simm.s32 $0x1B8E;
	s24 =	sld [smem:$0x3FFE];
	[sflag:s23] =	ssyncadd.s32 $0xFFFFFFFF  }
0xa5: {  	s26 =	simm.s32 $execute0_lowered;
	[smem:$0x3FD2] =	sst s25  }
0xa6: {  	s4 =	sshll.u32 s26, $0x1;
	_ =	strace $0x80000049;
	[dreg:$0x1] =	wrdreg $0xFFFFFFFF  }
0xa7: {  	s28 =	simm.s32 $_size_execute0_lowered;
	s2 =	sadd.s32 s2, s4;
	[dreg:$0x0] =	wrdreg $0x0  }
0xa8: {  	s4 =	sshll.u32 s28, $0x1;
	[dreg:$0x2] =	wrdreg s2  }
0xa9: {  	[dreg:$0x3] =	wrdreg s4  }
0xaa: {  	[dreg:$0x4] =	wrdreg $0xC0  }
0xab: {  	_ =	task [dreg:s6], $0x5FFFF  }
0xac: {  	[dreg:$0x1] =	wrdreg $0xFFFFFFFF  }
0xad: {  	[dreg:$0x0] =	wrdreg $0x60  }
0xae: {  	[dreg:$0x2] =	wrdreg s24  }
0xaf: {  	[dreg:$0x3] =	wrdreg $0x9  }
0xb0: {  	_ =	task.clear_ibuf [dreg:s6], $0x4FFFF;
	_ =	strace $0x90000049  }
0xb1: {  	s29 =	simm.s32 $0x9;
	_ =	strace $0x8000004B  }
0xb2: {  	_ =	swait.ge [sflag:s29], $0x1  }
0xb3: {  	[sflag:s29] =	ssyncadd.s32 $0xFFFFFFFF  }
0xb4: {  	_ =	strace $0x9000004B  }
0xb5: {  	_ =	sfence  }
0xb6: {  	s30 =	sld [smem:$0x0];
	_ =	sdelay $0x2  }
0xb7: {  	s31 =	sshll.u32 s1, $0xD;
	s1 =	sshrl.u32 s1, $0x2  }
0xb8: {  	s3 =	sand.u32 $0x4000, s31;
	s1 =	sadd.s32 s1, s30  }
0xb9: {  	s0 =	sor.u32 s3, s0;
	s1 =	sshll.u32 s1, $0x11  }
0xba: {  	s0 =	sor.u32 s1, s0  }
0xbb: {  	s0 =	sadd.s32 $0x8F2B, s0  }
0xbc: {  	[sflag:s0] =	ssyncadd.remote.s32 $0x1  }
0xbd: {  	_ =	sfence.sel $0xFFFF  }
0xbe: {  	[dreg:$0x0] =	wrdreg $0xFFFFFFFF;
	(pc) =	sbr.abs _section_cstart, $3  }
0xbf: {  	[dreg:$0x1] =	wrdreg $0xFFFFFFFF  }
0xc0: {  	_ =	task.clear_ibuf [dreg:s6], $0x2FFFF;
	_ =	strace $0x9FFFFFFF  }
0xc1: {  	(tm) =	ssettm $0x7FFFFFFF  }
tec
execute0_lowered:
.L_overlay_start_1:
0x0: {  	(tag) =	ssettag $0x1  }
0x1: {  	vm0 =	vcmask $0x300  }
0x2: {  	v0 =	vimm.s32 $0x0;
	v1 =	vimm.s32 $0x19B;
	v2 =	vimm.s32 $0x19F  }
0x3: {  	vm1 =	vcmask $0x704;
	v1 =	vsel vm0, $0x0, v1;
	v2 =	vsel vm0, $0x4, v2  }
0x4: {  	vm2 =	vcmask $0xB08;
	v1 =	vsel vm1, $0x88, v1;
	v2 =	vsel vm1, $0x8C, v2  }
0x5: {  	s7 =	rddreg [dreg:$0x0];
	vm4 =	vcmask $0xF0C;
	v1 =	vsel vm2, $0x110, v1;
	v2 =	vsel vm2, $0x114, v2  }
0x6: {  	s0 =	rddreg [dreg:$0x1];
	vm5 =	vcmask $0x1310;
	v1 =	vsel vm4, $0x198, v1;
	v2 =	vsel vm4, $0x19C, v2  }
0x7: {  	s3 =	srdreg.scid;
	s1 =	stileid.u32;
	s2 =	simm.s32 $0x0;
	vm6 =	vcmask $0x1714;
	v1 =	vsel vm5, $0x1, v1;
	v2 =	vsel vm5, $0x5, v2  }
0x8: {  	vm7 =	vcmask $0x1B18;
	s10 =	simm.s32 $0x110;
	s11 =	simm.s32 $0x198;
	s12 =	simm.s32 $0x220;
	v1 =	vsel vm6, $0x89, v1;
	v2 =	vsel vm6, $0x8D, v2  }
0x9: {  	vm8 =	vcmask $0x1F1C;
	s13 =	simm.s32 $0x2A8;
	s14 =	simm.s32 $0x330;
	s15 =	simm.s32 $0x3B8;
	v1 =	vsel vm7, $0x111, v1;
	v2 =	vsel vm7, $0x115, v2  }
0xa: {  	vm9 =	vcmask $0x2320;
	s16 =	simm.s32 $0x2;
	s17 =	simm.s32 $0x400;
	s18 =	simm.s32 $0x440;
	v1 =	vsel vm8, $0x199, v1;
	v2 =	vsel vm8, $0x19D, v2  }
0xb: {  	vm10 =	vcmask $0x2724;
	s19 =	simm.s32 $0x840;
	s20 =	simm.s32 $0x1;
	s21 =	simm.s32 $0x4840;
	v1 =	vsel vm9, $0x2, v1;
	v2 =	vsel vm9, $0x6, v2  }
0xc: {  	vm11 =	vcmask $0x2B28;
	s4 =	sand.u32 $0x1, s3;
	s31 =	sshll.u32 s1, $0x1;
	[smem:$0x7FF] =	sst s2;
	v1 =	vsel vm10, $0x8A, v1;
	v2 =	vsel vm10, $0x8E, v2  }
0xd: {  	vm12 =	vcmask $0x2F2C;
	s22 =	simm.s32 $0x0;
	s6 =	sor.u32 s4, s31;
	_ =	strace $0x8000004A;
	v1 =	vsel vm11, $0x112, v1;
	v2 =	vsel vm11, $0x116, v2  }
0xe: {  	vm13 =	vcmask $0x3330;
	s8 =	ssub.s32 $0x2, s4;
	s4 =	sadd.s32 $0x3EAA00, s7;
	s3 =	sshll.u32 s6, $0x4;
	v1 =	vsel vm12, $0x19A, v1;
	v2 =	vsel vm12, $0x19E, v2  }
0xf: {  	vm14 =	vcmask $0x3734;
	s9 =	sshrl.u32 s8, $0x1;
	s6 =	sshll.u32 s6, $0xB;
	s5 =	sadd.s32 s3, s7;
	v1 =	vsel vm13, $0x3, v1;
	v2 =	vsel vm13, $0x7, v2  }
0x10: {  	vm15 =	vcmask $0x3B38;
	s3 =	sadd.s32 $0x1000, s7;
	s8 =	ssub.s32 s8, s9;
	s7 =	sadd.s32 $0x3FAA00, s7;
	v1 =	vsel vm14, $0x8B, v1;
	v2 =	vsel vm14, $0x8F, v2  }
0x11: {  	v0 =	vsel vm0, $0x3, v0;
	s9 =	simm.s32 $0x88;
	s5 =	sadd.s32 $0x3D1A00, s5;
	s8 =	smax.u32 s8, $0x1;
	v1 =	vsel vm15, $0x113, v1;
	v2 =	vsel vm15, $0x117, v2  }
.LBB2_1:
0x12: {  	s23 =	simm.s32 $0x0  }
.LBB2_2:
0x13: {  	s24 =	sshll.u32 s23, $0xC  }
0x14: {  	s24 =	sadd.s32 s24, s5  }
0x15: {  	[tilespmem:s2], [sflag:$0x2] =	stream.linear.gather [hbm4b:s24+s2], $0x80, $0x38;
	[tilespmem:$0x8840] =	vst v63  }
0x16: {  	s25 =	sadd.s32 $0x200, s24  }
0x17: {  	[tilespmem:s9], [sflag:$0x2] =	stream.linear.gather [hbm4b:s25+s2], $0x80, $0x38;
	[tilespmem:$0x8840] =	vst v63  }
0x18: {  	s31 =	sadd.s32 $0x400, s24  }
0x19: {  	[tilespmem:s10], [sflag:$0x2] =	stream.linear.gather [hbm4b:s31+s2], $0x80, $0x38;
	[tilespmem:$0x8840] =	vst v63  }
0x1a: {  	s26 =	sadd.s32 $0x600, s24  }
0x1b: {  	[tilespmem:s11], [sflag:$0x2] =	stream.linear.gather [hbm4b:s26+s2], $0x80, $0x38;
	[tilespmem:$0x8840] =	vst v63  }
0x1c: {  	s30 =	sadd.s32 $0x800, s24  }
0x1d: {  	[tilespmem:s12], [sflag:$0x2] =	stream.linear.gather [hbm4b:s30+s2], $0x80, $0x38;
	[tilespmem:$0x8840] =	vst v63  }
0x1e: {  	s31 =	sadd.s32 $0xA00, s24  }
0x1f: {  	[tilespmem:s13], [sflag:$0x2] =	stream.linear.gather [hbm4b:s31+s2], $0x80, $0x38;
	[tilespmem:$0x8840] =	vst v63  }
0x20: {  	s28 =	simm.s32 $0x4;
	s26 =	sadd.s32 $0xC00, s24  }
0x21: {  	[tilespmem:s14], [sflag:$0x2] =	stream.linear.gather [hbm4b:s26+s2], $0x80, $0x38;
	[tilespmem:$0x8840] =	vst v63  }
0x22: {  	s24 =	sadd.s32 $0xE00, s24;
	s30 =	simm.s32 $0x0;
	s26 =	simm.s32 $0x0  }
0x23: {  	s25 =	sand.u32 $0x4, s30;
	s31 =	sand.u32 $0x7C, s28;
	s26 =	sand.u32 $0x78, s26  }
0x24: {  	v3 =	vmov s25;
	v5 =	vmov s31;
	v4 =	vmov s26;
	[tilespmem:s15], [sflag:$0x2] =	stream.linear.gather [hbm4b:s24+s2], $0x80, $0x38;
	[tilespmem:$0x8840] =	vst v63  }
0x25: {  	v3 =	vmul.u32 $0x88, v3;
	v5 =	vshrl.u32 v5, $0x3;
	s26 =	simm.s32 $0x0;
	v4 =	vshrl.u32 v4, $0x3  }
0x26: {  	s30 =	simm.s32 $0x8;
	v5 =	vshll.u32 v5, v0;
	s24 =	sand.u32 $0x4, s26;
	v4 =	vshll.u32 v4, v0  }
0x27: {  	s25 =	sand.u32 $0x78, s30;
	s31 =	simm.s32 $0xC;
	v6 =	vmov s24;
	v4 =	vadd.s32 v3, v4;
	v3 =	vadd.s32 v3, v5  }
0x28: {  	s24 =	sand.u32 $0x7C, s31;
	s31 =	simm.s32 $0x14;
	v5 =	vmul.u32 $0x88, v6;
	v6 =	vmov s25;
	v4 =	vbroadcast v4, $0x0  }
0x29: {  	v7 =	vmov s24;
	s24 =	sand.u32 $0x7C, s31;
	v3 =	vbroadcast v3, $0x0;
	v6 =	vshrl.u32 v6, $0x3  }
0x2a: {  	s26 =	simm.s32 $0x0;
	v7 =	vshrl.u32 v7, $0x3;
	v9 =	vmov s24;
	v4 =	vadd.s32 v1, v4  }
0x2b: {  	s30 =	sand.u32 $0x4, s26;
	s26 =	simm.s32 $0x10;
	v7 =	vshll.u32 v7, v0;
	v8 =	vadd.s32 v2, v3;
	v3 =	vshll.u32 v6, v0  }
0x2c: {  	_ =	swait.ge [sflag:s16], $0x400;
	s25 =	sand.u32 $0x78, s26;
	v9 =	vshrl.u32 v9, $0x3;
	v6 =	vmov s30;
	v3 =	vadd.s32 v5, v3  }
0x2d: {  	[sflag:s16] =	ssyncset.done $0x0;
	v5 =	vadd.s32 v5, v7;
	v7 =	vmov s25;
	v3 =	vbroadcast v3, $0x0  }
0x2e: {  	[sflag:s16] =	ssyncadd.s32 $0xFFFFFC00;
	v6 =	vmul.u32 $0x88, v6;
	v5 =	vbroadcast v5, $0x0;
	v7 =	vshrl.u32 v7, $0x3  }
0x2f: {  	s30 =	simm.s32 $0x0;
	v9 =	vshll.u32 v9, v0;
	v7 =	vshll.u32 v7, v0;
	v3 =	vadd.s32 v1, v3;
	v4 =	vld.idx.msk [tilespmem:v4+s2+$0x0], $0xffff  }
0x30: {  	s31 =	sand.u32 $0x4, s30;
	v12 =	vadd.s32 v6, v9;
	v5 =	vadd.s32 v2, v5;
	v11 =	vadd.s32 v6, v7;
	v6 =	vld.idx.msk [tilespmem:v8+s2+$0x0], $0xffff  }
0x31: {  	s29 =	simm.s32 $0x18;
	s28 =	simm.s32 $0x1C;
	v10 =	vmov s31  }
0x32: {  	s26 =	simm.s32 $0x6;
	s24 =	simm.s32 $0x450;
	s25 =	simm.s32 $0x470;
	v7 =	vmul.u32 $0x88, v10;
	v9 =	vbroadcast v11, $0x0;
	v8 =	vbroadcast v12, $0x0  }
.LBB2_3:
0x33: {  	s26 =	sadd.s32 $0x2, s26  }
0x34: {  	s29 =	sand.u32 $0x78, s29;
	s30 =	sand.u32 $0x7C, s28;
	[tilespmem:s24+$0xFFFFFFF0] =	vst v4;
	v4 =	vld.idx.msk [tilespmem:v3+s2+$0x0], $0xffff;
	p0 =	slt.u32 s26, $0x3E  }
.Ltmp0:
0x35: {  	s31 =	sshrl.u32 s26, $0x3;
	v10 =	vmov s29;
	v11 =	vmov s30;
	v3 =	vadd.s32 v1, v9;
	[tilespmem:s24+$0x0] =	vst v6;
	v6 =	vld.idx.msk [tilespmem:v5+s2+$0x0], $0xffff;
	(pc) =	sbr.rel @p0 .LBB2_3-.Ltmp0, $4  }
0x36: {  	v5 =	vadd.s32 v2, v8;
	s24 =	smov.u32 s25;
	s29 =	sand.u32 $0x4, s31;
	v9 =	vshrl.u32 v10, $0x3;
	v10 =	vshrl.u32 v11, $0x3  }
0x37: {  	v8 =	vmov s29;
	v9 =	vshll.u32 v9, v0;
	v10 =	vshll.u32 v10, v0  }
0x38: {  	s28 =	sadd.s32 $0x8, s28;
	v9 =	vadd.s32 v7, v9;
	v10 =	vadd.s32 v7, v10;
	v7 =	vmul.u32 $0x88, v8  }
0x39: {  	s25 =	sadd.s32 $0x20, s25;
	s29 =	sadd.s32 $0xFFFFFFFC, s28;
	v9 =	vbroadcast v9, $0x0;
	v8 =	vbroadcast v10, $0x0  }
0x3a: {  	s26 =	sand.u32 $0x78, s29  }
0x3b: {  	s28 =	sand.u32 $0x7C, s28;
	v10 =	vmov s26  }
0x3c: {  	v11 =	vmov s28;
	v10 =	vshrl.u32 v10, $0x3  }
0x3d: {  	v11 =	vshrl.u32 v11, $0x3;
	v10 =	vshll.u32 v10, v0  }
0x3e: {  	v11 =	vshll.u32 v11, v0;
	v10 =	vadd.s32 v7, v10  }
0x3f: {  	v9 =	vadd.s32 v1, v9;
	v61 =	vadd.s32 v7, v11;
	v10 =	vbroadcast v10, $0x0  }
0x40: {  	v8 =	vadd.s32 v2, v8;
	v7 =	vbroadcast v61, $0x0  }
0x41: {  	v10 =	vadd.s32 v1, v10  }
0x42: {  	v3 =	vld.idx.msk [tilespmem:v3+s2+$0x0], $0xffff;
	v7 =	vadd.s32 v2, v7  }
0x43: {  	v5 =	vld.idx.msk [tilespmem:v5+s2+$0x0], $0xffff  }
0x44: {  	v9 =	vld.idx.msk [tilespmem:v9+s2+$0x0], $0xffff  }
0x45: {  	[tilespmem:s24+$0xFFFFFFF0] =	vst v4;
	v62 =	vld.idx.msk [tilespmem:v8+s2+$0x0], $0xffff  }
0x46: {  	[tilespmem:s24+$0x0] =	vst v6;
	v63 =	vld.idx.msk [tilespmem:v10+s2+$0x0], $0xffff  }
0x47: {  	[tilespmem:s25+$0xFFFFFFF0] =	vst v3;
	v3 =	vld.idx.msk [tilespmem:v7+s2+$0x0], $0xffff  }
0x48: {  	s28 =	sadd.s32 $0x20, s25;
	[tilespmem:s25+$0x0] =	vst v5  }
0x49: {  	[tilespmem:s28+$0xFFFFFFF0] =	vst v9  }
0x4a: {  	s29 =	sadd.s32 $0x20, s28;
	[tilespmem:s28+$0x0] =	vst v62  }
0x4b: {  	[tilespmem:s29+$0xFFFFFFF0] =	vst v63  }
0x4c: {  	[tilespmem:s29+$0x0] =	vst v3  }
0x4d: {  	[tilespmem:s19], [sflag:$0x1] =	stream.indirect.gather [hbm4b:s3+s17], $0x20, s18, s17, $0xb8;
	[tilespmem:$0x8840] =	vst v63  }
0x4e: {  	s30 =	sshll.u32 s23, $0x11;
	_ =	swait.ge [sflag:s20], $0x8000  }
0x4f: {  	s24 =	sor.u32 s6, s30;
	[sflag:s20] =	ssyncset.done $0x0  }
0x50: {  	s31 =	sadd.s32 s4, s24;
	[sflag:s20] =	ssyncadd.s32 $0xFFFF8000  }
0x51: {  	[hbm4b:s31+s2] =	stream.linear.scatter [tilespmem:s19], [sflag:$0x2], $0x4000, $0x38;
	[tilespmem:$0x8840] =	vst v63  }
0x52: {  	s23 =	sadd.s32 $0x1, s23;
	_ =	swait.ge [sflag:s16], $0x4000  }
0x53: {  	p0 =	sne.s32 s23, $0x19;
	[sflag:s16] =	ssyncset.done $0x0  }
.Ltmp1:
0x54: {  	s24 =	sadd.s32 s24, s7;
	[sflag:s16] =	ssyncadd.s32 $0xFFFFC000;
	(pc) =	sbr.rel @p0 .LBB2_2-.Ltmp1, $4  }
0x55: {  	[hbm4b:s24+s2] =	stream.linear.scatter [tilespmem:s21], [sflag:$0x2], $0x4000, $0x38;
	[tilespmem:$0x8840] =	vst v63  }
0x56: {  	_ =	swait.ge [sflag:s16], $0x4000  }
0x57: {  	[sflag:s16] =	ssyncset.done $0x0  }
0x58: {  	[sflag:s16] =	ssyncadd.s32 $0xFFFFC000  }
0x59: {  	s22 =	sadd.s32 $0x1, s22  }
0x5a: {  	p0 =	sne.s32 s22, s8  }
.Ltmp2:
0x5b: {  	_ = 	snop;
	(pc) =	sbr.rel @p0 .LBB2_1-.Ltmp2, $1  }
0x5c: {  	_ =	sdelay $0x3  }
0x5d: {  	_ =	sfence.sel $0x180000  }
0x5e: {  	[bflag:$0x0] =	sbarrier.arrive $0xFFFF  }
0x5f: {  	p0 =	sne.s32 s1, $0x0;
	_ =	strace $0x9000004A  }
0x60: {  	s0 =	sadd.s32 @!p0 $0x100000, s0;
	[bflag:$0x2] =	sbarrier.arrive $0xFFFF  }
0x61: {  	[sflag:s0] =	ssyncadd.tile.s32 @!p0 $0x1;
	_ =	shalt  }
.Lfunc_end2:
_tile_overlayer_lowered:
.L_overlay_start_2:
0x62: {  	(tag) =	ssettag $0x2  }
0x63: {  	s0 =	rddreg [dreg:$0x0];
	s2 =	stileid.u32  }
0x64: {  	s1 =	rddreg [dreg:$0x1];
	p0 =	sne.s32 s2, $0x0  }
0x65: {  	s3 =	rddreg [dreg:$0x2];
	[bflag:$0x3] =	sbarrier.arrive $0xFFFF;
	s2 =	simm.s32 @!p0 $0x1C02  }
0x66: {  	[timem:s3], [sflag:s2] =	dma.local @!p0 [hbm:s0], s1  }
0x67: {  	s0 =	simm.s32 @!p0 $0x2  }
0x68: {  	_ =	swait.ge @!p0 [sflag:s0], s1  }
0x69: {  	s1 =	ssub.s32 @!p0 $0x0, s1;
	[sflag:s0] =	ssyncset.done @!p0 $0x0  }
0x6a: {  	[sflag:s0] =	ssyncadd.s32 @!p0 s1  }
0x6b: {  	[bflag:$0x3] =	sbarrier.arrive $0xFFFF  }
0x6c: {  	_ =	shalt  }

</sc_bundles>
